<compile_context>
chip_gen: v7x
topology: tpu7x:2x2x1
jax: 0.10.2.dev20260603
libtpu: 0.0.44.dev20260713+nightly
codegen_flags: <defaults>
</compile_context>

<pallas_src>
import functools

import jax
import jax.numpy as jnp
from jax import lax
from jax.experimental import pallas as pl
from jax.experimental.pallas import tpu as pltpu
from jax.experimental.pallas import tpu_sc as plsc

_K = 10
_TEMP = 0.1
_EPS_LN = 1e-5
_EPS_L2 = 1e-12


def _proj_kernel(t_ref, v_ref, a_ref, wt_ref, wv_ref, wa_ref,
                 bt_ref, bv_ref, ba_ref, yt_ref, yv_ref, ya_ref):
    def proj(x, w, b):
        return jnp.dot(x, w, preferred_element_type=jnp.float32) + b

    yt_ref[...] = proj(t_ref[...], wt_ref[...], bt_ref[...])
    yv_ref[...] = proj(v_ref[...], wv_ref[...], bv_ref[...])
    ya_ref[...] = proj(a_ref[...], wa_ref[...], ba_ref[...])


def _topk_kernel(qn_ref, bank_ref, vals_ref, idx_ref, *, n_tile, n_total):
    step = pl.program_id(0)

    @pl.when(step == 0)
    def _init():
        vals_ref[...] = jnp.full(vals_ref.shape, -jnp.inf, jnp.float32)
        idx_ref[...] = jnp.zeros(idx_ref.shape, jnp.int32)

    bn = bank_ref[...]
    s = lax.dot_general(qn_ref[...], bn, (((1,), (1,)), ((), ())),
                        preferred_element_type=jnp.float32)
    col0 = step * n_tile
    liota = lax.broadcasted_iota(jnp.int32, s.shape, 1)
    s = jnp.where(liota + col0 < n_total, s, -jnp.inf)

    tv, ti = [], []
    for _ in range(_K):
        m = jnp.max(s, axis=1, keepdims=True)
        a = jnp.min(jnp.where(s == m, liota, n_tile), axis=1, keepdims=True)
        tv.append(m)
        ti.append(a + col0)
        s = jnp.where(liota == a, -jnp.inf, s)
    cv = jnp.concatenate([vals_ref[...]] + tv, axis=1)
    ci = jnp.concatenate([idx_ref[...]] + ti, axis=1)

    miota = lax.broadcasted_iota(jnp.int32, cv.shape, 1)
    nv, ni = [], []
    for _ in range(_K):
        m = jnp.max(cv, axis=1, keepdims=True)
        a = jnp.min(jnp.where(cv == m, miota, 2 * _K), axis=1, keepdims=True)
        nv.append(m)
        ni.append(jnp.sum(jnp.where(miota == a, ci, 0), axis=1, keepdims=True))
        cv = jnp.where(miota == a, -jnp.inf, cv)
    vals_ref[...] = jnp.concatenate(nv, axis=1)
    idx_ref[...] = jnp.concatenate(ni, axis=1)


def _gather_sc(bank, idx_flat):
    info = plsc.get_sparse_core_info()
    nw = info.num_cores * info.num_subcores
    n, d = idx_flat.shape[0], bank.shape[1]
    b_per_w = n // nw
    ch = 64
    n_ch = b_per_w // ch
    mesh = plsc.VectorSubcoreMesh(core_axis_name="c", subcore_axis_name="s")

    @functools.partial(
        pl.kernel, mesh=mesh,
        out_type=jax.ShapeDtypeStruct((n, d), jnp.float32),
        scratch_types=[
            pltpu.VMEM((ch,), jnp.int32),
            pltpu.VMEM((ch, d), jnp.float32),
            pltpu.SemaphoreType.DMA,
        ],
    )
    def k(bank_hbm, idx_hbm, out_hbm, idx_v, rows_v, sem):
        wid = lax.axis_index("s") * info.num_cores + lax.axis_index("c")
        base = wid * b_per_w

        def body(c, carry):
            off = base + c * ch
            pltpu.sync_copy(idx_hbm.at[pl.ds(off, ch)], idx_v)
            pltpu.async_copy(bank_hbm.at[idx_v], rows_v, sem).wait()
            pltpu.sync_copy(rows_v, out_hbm.at[pl.ds(off, ch)])
            return carry

        lax.fori_loop(0, n_ch, body, 0)

    return k(bank, idx_flat)


def _ret_kernel(vals_ref, neigh_ref, ret_ref):
    w = jax.nn.softmax(vals_ref[...] / _TEMP, axis=-1)
    ret_ref[...] = jnp.sum(w[:, :, None] * neigh_ref[...], axis=1)


def _logits_kernel(out_ref, proto_ref, logits_ref):
    out = out_ref[...]
    on = out / (jnp.sqrt(jnp.sum(out * out, axis=-1, keepdims=True)) + _EPS_L2)
    p = proto_ref[...]
    pn = p / (jnp.sqrt(jnp.sum(p * p, axis=-1, keepdims=True)) + _EPS_L2)
    logits_ref[...] = lax.dot_general(
        on, pn, (((1,), (1,)), ((), ())),
        preferred_element_type=jnp.float32) / _TEMP


def _run_proj(text, visual, audio, W_t, b_t, W_v, b_v, W_a, b_a):
    B = text.shape[0]
    D = W_t.shape[1]
    bt2 = b_t.reshape(1, D)
    bv2 = b_v.reshape(1, D)
    ba2 = b_a.reshape(1, D)

    b_tile = min(256, B)
    g1 = B // b_tile
    return pl.pallas_call(
        _proj_kernel,
        grid=(g1,),
        in_specs=[
            pl.BlockSpec((b_tile, text.shape[1]), lambda i: (i, 0)),
            pl.BlockSpec((b_tile, visual.shape[1]), lambda i: (i, 0)),
            pl.BlockSpec((b_tile, audio.shape[1]), lambda i: (i, 0)),
            pl.BlockSpec(W_t.shape, lambda i: (0, 0)),
            pl.BlockSpec(W_v.shape, lambda i: (0, 0)),
            pl.BlockSpec(W_a.shape, lambda i: (0, 0)),
            pl.BlockSpec((1, D), lambda i: (0, 0)),
            pl.BlockSpec((1, D), lambda i: (0, 0)),
            pl.BlockSpec((1, D), lambda i: (0, 0)),
        ],
        out_specs=[
            pl.BlockSpec((b_tile, D), lambda i: (i, 0)),
            pl.BlockSpec((b_tile, D), lambda i: (i, 0)),
            pl.BlockSpec((b_tile, D), lambda i: (i, 0)),
        ],
        out_shape=[
            jax.ShapeDtypeStruct((B, D), jnp.float32),
            jax.ShapeDtypeStruct((B, D), jnp.float32),
            jax.ShapeDtypeStruct((B, D), jnp.float32),
        ],
    )(text, visual, audio, W_t, W_v, W_a, bt2, bv2, ba2)


def _run_topk(qn, bn):
    B, D = qn.shape
    n_bank = bn.shape[0]
    n_tile = min(2048, n_bank)
    g2 = pl.cdiv(n_bank, n_tile)
    return pl.pallas_call(
        functools.partial(_topk_kernel, n_tile=n_tile, n_total=n_bank),
        grid=(g2,),
        in_specs=[
            pl.BlockSpec((B, D), lambda i: (0, 0)),
            pl.BlockSpec((n_tile, D), lambda i: (i, 0)),
        ],
        out_specs=[
            pl.BlockSpec((B, _K), lambda i: (0, 0)),
            pl.BlockSpec((B, _K), lambda i: (0, 0)),
        ],
        out_shape=[
            jax.ShapeDtypeStruct((B, _K), jnp.float32),
            jax.ShapeDtypeStruct((B, _K), jnp.int32),
        ],
    )(qn, bn)


def _run_ret(vals, neigh):
    B = vals.shape[0]
    D = neigh.shape[2]
    b_tile = min(256, B)
    g1 = B // b_tile
    return pl.pallas_call(
        _ret_kernel,
        grid=(g1,),
        in_specs=[
            pl.BlockSpec((b_tile, _K), lambda i: (i, 0)),
            pl.BlockSpec((b_tile, _K, D), lambda i: (i, 0, 0)),
        ],
        out_specs=pl.BlockSpec((b_tile, D), lambda i: (i, 0)),
        out_shape=jax.ShapeDtypeStruct((B, D), jnp.float32),
    )(vals, neigh)


def _run_logits(out, prototypes):
    B, D = out.shape
    C = prototypes.shape[0]
    b_tile = min(256, B)
    g1 = B // b_tile
    return pl.pallas_call(
        _logits_kernel,
        grid=(g1,),
        in_specs=[
            pl.BlockSpec((b_tile, D), lambda i: (i, 0)),
            pl.BlockSpec((C, D), lambda i: (0, 0)),
        ],
        out_specs=pl.BlockSpec((b_tile, C), lambda i: (i, 0)),
        out_shape=jax.ShapeDtypeStruct((B, C), jnp.float32),
    )(out, prototypes)


def _layernorm(x, eps=_EPS_LN):
    m = jnp.mean(x, axis=-1, keepdims=True)
    v = jnp.var(x, axis=-1, keepdims=True)
    return (x - m) / jnp.sqrt(v + eps)


def _l2norm(x, eps=_EPS_L2):
    return x / (jnp.linalg.norm(x, axis=-1, keepdims=True) + eps)


def kernel(text, visual, audio, bank, W_t, b_t, W_v, b_v, W_a, b_a, prototypes):
    B = text.shape[0]
    D = W_t.shape[1]
    yt, yv, ya = _run_proj(text, visual, audio, W_t, b_t, W_v, b_v, W_a, b_a)
    t = jax.nn.relu(_layernorm(yt))
    v = jax.nn.relu(_layernorm(yv))
    a = jax.nn.relu(_layernorm(ya))
    fused = (t + v + a) / 3.0
    qn = _l2norm(fused)
    bn = _l2norm(bank)
    vals, idx = _run_topk(qn, bn)
    neigh = _gather_sc(bank, idx.reshape(-1)).reshape(B, _K, D)
    retrieved = _run_ret(vals, neigh)
    out = fused + retrieved
    logits = _run_logits(out, prototypes)
    return (logits, vals, idx)

# --- scband reference (transcript-rebuilt; emitter-appended) ---
"""Pipeline reference for scband-prototype-emotion-model-12000138625284 (READ-ONLY COPY).

The authoritative reference and input builder live on the scoring server;
editing this copy changes nothing except your own understanding.
"""

import jax, jax.numpy as jnp
import numpy as np


def _layernorm(x, eps=1e-5):
    m = jnp.mean(x, axis=-1, keepdims=True)
    v = jnp.var(x, axis=-1, keepdims=True)
    return (x - m) / jnp.sqrt(v + eps)


def _l2norm(x, eps=1e-12):
    return x / (jnp.linalg.norm(x, axis=-1, keepdims=True) + eps)


def setup_inputs(seed: int = 0) -> dict:
    key = jax.random.key(seed)
    ks = jax.random.split(key, 12)
    B, Td, Id, Ad, D, K, C = 1024, 768, 1024, 512, 512, 100000, 4
    text = jax.random.normal(ks[0], (B, Td), dtype=jnp.float32)
    visual = jax.random.normal(ks[1], (B, Id), dtype=jnp.float32)
    audio = jax.random.normal(ks[2], (B, Ad), dtype=jnp.float32)
    bank = jax.random.normal(ks[3], (K, D), dtype=jnp.float32)
    W_t = jax.random.normal(ks[4], (Td, D), dtype=jnp.float32) * 0.02
    b_t = jnp.zeros((D,), dtype=jnp.float32)
    W_v = jax.random.normal(ks[5], (Id, D), dtype=jnp.float32) * 0.02
    b_v = jnp.zeros((D,), dtype=jnp.float32)
    W_a = jax.random.normal(ks[6], (Ad, D), dtype=jnp.float32) * 0.02
    b_a = jnp.zeros((D,), dtype=jnp.float32)
    prototypes = jax.random.normal(ks[7], (C, D), dtype=jnp.float32)
    return {"text": text, "visual": visual, "audio": audio, "bank": bank,
            "W_t": W_t, "b_t": b_t, "W_v": W_v, "b_v": b_v,
            "W_a": W_a, "b_a": b_a, "prototypes": prototypes}


def reference(text, visual, audio, bank, W_t, b_t, W_v, b_v, W_a, b_a, prototypes):
    k = 10
    temperature = 0.1
    # modality projections: Linear -> LayerNorm -> ReLU (dropout is identity at eval)
    t = jax.nn.relu(_layernorm(text @ W_t + b_t))
    v = jax.nn.relu(_layernorm(visual @ W_v + b_v))
    a = jax.nn.relu(_layernorm(audio @ W_a + b_a))
    fused = (t + v + a) / 3.0
    # cosine-similarity kNN retrieval against bank (search_neighbors, batched)
    qn = _l2norm(fused)
    bn = _l2norm(bank)
    sims = qn @ bn.T
    topk_vals, topk_idx = jax.lax.top_k(sims, k)
    # softmax-weighted aggregation of retrieved neighbors (gather)
    w = jax.nn.softmax(topk_vals / temperature, axis=-1)
    neighbors = jnp.take(bank, topk_idx, axis=0)
    retrieved = jnp.einsum('bk,bkd->bd', w, neighbors)
    out = fused + retrieved
    # prototype (class) logits via cosine similarity / temperature
    logits = (_l2norm(out) @ _l2norm(prototypes).T) / temperature
    return (logits, topk_vals, topk_idx)

if __name__ == "__main__":
    import jax
    _d = setup_inputs()
    print(jax.jit(kernel)(*tuple(_d.values())))

</pallas_src>

<mosaic_0001>
#map = affine_map<(d0, d1) -> (0, 0)>
#map1 = affine_map<(d0, d1) -> (0)>
module attributes {stable_mosaic.version = 14 : i64} {
  func.func @k(%arg0: i32, %arg1: i32, %arg2: memref<100000x512xf32, #tpu.memory_space<hbm>>, %arg3: memref<10240xi32, #tpu.memory_space<hbm>>, %arg4: memref<10240x512xf32, #tpu.memory_space<hbm>>, %arg5: memref<64xi32, #tpu.memory_space<vmem>>, %arg6: memref<64x512xf32, #tpu.memory_space<vmem>>, %arg7: memref<!tpu.dma_semaphore, #tpu.memory_space<semaphore_mem>>) attributes {dimension_semantics = [#tpu.dimension_semantics<core_parallel>, #tpu.dimension_semantics<subcore_parallel>], iteration_bounds = array<i64: 2, 16>, scalar_prefetch = 0 : i64, scratch_operands = 3 : i64, tpu.core_type = #tpu.core_type<sc_vector_subcore>, window_params = [{transform_indices = #map}, {transform_indices = #map1}, {transform_indices = #map}]} {
    %mul3A = arith.constant 2 : i32
    %mul3A_0 = arith.muli %arg1, %mul3A : i32
    %add3A = arith.addi %mul3A_0, %arg0 : i32
    %mul3A_1 = arith.constant 320 : i32
    %mul3A_2 = arith.muli %add3A, %mul3A_1 : i32
    %scan3A = arith.constant 0 : i32
    %scan3A_3 = arith.constant 0 : i32
    %scan3A_4 = arith.constant 5 : i32
    %scan3A_5 = arith.addi %scan3A_3, %scan3A_4 : i32
    %scan3A_6 = arith.constant 1 : i32
    scf.for %scan3A_8 = %scan3A_3 to %scan3A_5 step %scan3A_6  : i32 {
      %mul3A_9 = arith.constant 64 : i32
      %mul3A_10 = arith.muli %scan3A_8, %mul3A_9 : i32
      %add3A_11 = arith.addi %mul3A_2, %mul3A_10 : i32
      "tpu.region"() ({
        %run_scoped3A = tpu.sem_alloc : memref<!tpu.dma_semaphore, #tpu.memory_space<semaphore_mem>>
        %dma_start3A_16 = tpu.memref_slice %arg3[%add3A_11] : memref<10240xi32, #tpu.memory_space<hbm>> -> memref<64xi32, #tpu.memory_space<hbm>>
        %dma_start3A_17 = tpu.memref_slice %arg3[%add3A_11] : memref<10240xi32, #tpu.memory_space<hbm>> -> memref<64xi32, #tpu.memory_space<hbm>>
        tpu.enqueue_dma source(%dma_start3A_17 : memref<64xi32, #tpu.memory_space<hbm>>) target(%arg5 : memref<64xi32, #tpu.memory_space<vmem>>) target_semaphore(%run_scoped3A : memref<!tpu.dma_semaphore, #tpu.memory_space<semaphore_mem>>)
        %dma_wait3A_18 = tpu.memref_slice %arg3[%add3A_11] : memref<10240xi32, #tpu.memory_space<hbm>> -> memref<64xi32, #tpu.memory_space<hbm>>
        %dma_wait3A_19 = tpu.memref_slice %arg3[%add3A_11] : memref<10240xi32, #tpu.memory_space<hbm>> -> memref<64xi32, #tpu.memory_space<hbm>>
        tpu.wait_dma2 semaphore(%run_scoped3A : memref<!tpu.dma_semaphore, #tpu.memory_space<semaphore_mem>>) src(%dma_wait3A_19 : memref<64xi32, #tpu.memory_space<hbm>>) dst(%arg5 : memref<64xi32, #tpu.memory_space<vmem>>)
        tpu.yield
      }) : () -> ()
      %dma_start3A = arith.constant 0 : i32
      %dma_start3A_12 = arith.constant 0 : i32
      %dma_start3A_13 = tpu.memref_slice %arg2[%dma_start3A, %dma_start3A_12] : memref<100000x512xf32, #tpu.memory_space<hbm>> -> memref<100000x512xf32, #tpu.memory_space<hbm>>
      tpu.enqueue_indirect_dma source(%dma_start3A_13 : memref<100000x512xf32, #tpu.memory_space<hbm>>) target(%arg6 : memref<64x512xf32, #tpu.memory_space<vmem>>) offsets(%arg5 : memref<64xi32, #tpu.memory_space<vmem>>) semaphore(%arg7 : memref<!tpu.dma_semaphore, #tpu.memory_space<semaphore_mem>>)
      %dma_wait3A = arith.constant 0 : i32
      %dma_wait3A_14 = arith.constant 0 : i32
      %dma_wait3A_15 = tpu.memref_slice %arg2[%dma_wait3A, %dma_wait3A_14] : memref<100000x512xf32, #tpu.memory_space<hbm>> -> memref<100000x512xf32, #tpu.memory_space<hbm>>
      tpu.wait_indirect_dma semaphore(%arg7 : memref<!tpu.dma_semaphore, #tpu.memory_space<semaphore_mem>>) src(%dma_wait3A_15 : memref<100000x512xf32, #tpu.memory_space<hbm>>) dst(%arg6 : memref<64x512xf32, #tpu.memory_space<vmem>>)
      "tpu.region"() ({
        %run_scoped3A = tpu.sem_alloc : memref<!tpu.dma_semaphore, #tpu.memory_space<semaphore_mem>>
        %dma_start3A_16 = arith.constant 0 : i32
        %dma_start3A_17 = tpu.memref_slice %arg4[%add3A_11, %dma_start3A_16] : memref<10240x512xf32, #tpu.memory_space<hbm>> -> memref<64x512xf32, #tpu.memory_space<hbm>>
        %dma_start3A_18 = arith.constant 0 : i32
        %dma_start3A_19 = tpu.memref_slice %arg4[%add3A_11, %dma_start3A_18] : memref<10240x512xf32, #tpu.memory_space<hbm>> -> memref<64x512xf32, #tpu.memory_space<hbm>>
        tpu.enqueue_dma source(%arg6 : memref<64x512xf32, #tpu.memory_space<vmem>>) target(%dma_start3A_19 : memref<64x512xf32, #tpu.memory_space<hbm>>) target_semaphore(%run_scoped3A : memref<!tpu.dma_semaphore, #tpu.memory_space<semaphore_mem>>)
        %dma_wait3A_20 = arith.constant 0 : i32
        %dma_wait3A_21 = tpu.memref_slice %arg4[%add3A_11, %dma_wait3A_20] : memref<10240x512xf32, #tpu.memory_space<hbm>> -> memref<64x512xf32, #tpu.memory_space<hbm>>
        %dma_wait3A_22 = arith.constant 0 : i32
        %dma_wait3A_23 = tpu.memref_slice %arg4[%add3A_11, %dma_wait3A_22] : memref<10240x512xf32, #tpu.memory_space<hbm>> -> memref<64x512xf32, #tpu.memory_space<hbm>>
        tpu.wait_dma2 semaphore(%run_scoped3A : memref<!tpu.dma_semaphore, #tpu.memory_space<semaphore_mem>>) src(%arg6 : memref<64x512xf32, #tpu.memory_space<vmem>>) dst(%dma_wait3A_23 : memref<64x512xf32, #tpu.memory_space<hbm>>)
        tpu.yield
      }) : () -> ()
    }
    %scan3A_7 = arith.constant 5 : i32
    return
  }
}

module attributes {stable_mosaic.version = 14 : i64} {
  func.func @_proj_kernel(%arg0: i32, %arg1: memref<256x768xf32, #tpu.memory_space<vmem>>, %arg2: memref<256x1024xf32, #tpu.memory_space<vmem>>, %arg3: memref<256x512xf32, #tpu.memory_space<vmem>>, %arg4: memref<768x512xf32, #tpu.memory_space<vmem>>, %arg5: memref<1024x512xf32, #tpu.memory_space<vmem>>, %arg6: memref<512x512xf32, #tpu.memory_space<vmem>>, %arg7: memref<1x512xf32, #tpu.memory_space<vmem>>, %arg8: memref<1x512xf32, #tpu.memory_space<vmem>>, %arg9: memref<1x512xf32, #tpu.memory_space<vmem>>, %arg10: memref<256x512xf32, #tpu.memory_space<vmem>>, %arg11: memref<256x512xf32, #tpu.memory_space<vmem>>, %arg12: memref<256x512xf32, #tpu.memory_space<vmem>>) attributes {dimension_semantics = [#tpu.dimension_semantics<arbitrary>], iteration_bounds = array<i64: 4>, scalar_prefetch = 0 : i64, scratch_operands = 0 : i64, tpu.core_type = #tpu.core_type<tc>, window_params = [{transform_indices = @transform_0, window_bounds = array<i64: 256, 768>}, {transform_indices = @transform_1, window_bounds = array<i64: 256, 1024>}, {transform_indices = @transform_2, window_bounds = array<i64: 256, 512>}, {pipeline_mode = #tpu.pipeline_mode<synchronous>, transform_indices = @transform_3, window_bounds = array<i64: 768, 512>}, {pipeline_mode = #tpu.pipeline_mode<synchronous>, transform_indices = @transform_4, window_bounds = array<i64: 1024, 512>}, {pipeline_mode = #tpu.pipeline_mode<synchronous>, transform_indices = @transform_5, window_bounds = array<i64: 512, 512>}, {pipeline_mode = #tpu.pipeline_mode<synchronous>, transform_indices = @transform_6, window_bounds = array<i64: 1, 512>}, {pipeline_mode = #tpu.pipeline_mode<synchronous>, transform_indices = @transform_7, window_bounds = array<i64: 1, 512>}, {pipeline_mode = #tpu.pipeline_mode<synchronous>, transform_indices = @transform_8, window_bounds = array<i64: 1, 512>}, {transform_indices = @transform_9, window_bounds = array<i64: 256, 512>}, {transform_indices = @transform_10, window_bounds = array<i64: 256, 512>}, {transform_indices = @transform_11, window_bounds = array<i64: 256, 512>}]} {
    %get3A = arith.constant 0 : index
    %get3A_0 = arith.constant 0 : index
    %get3A_1 = vector.load %arg1[%get3A, %get3A_0] : memref<256x768xf32, #tpu.memory_space<vmem>>, vector<256x768xf32>
    %get3A_2 = arith.constant 0 : index
    %get3A_3 = arith.constant 0 : index
    %get3A_4 = vector.load %arg4[%get3A_2, %get3A_3] : memref<768x512xf32, #tpu.memory_space<vmem>>, vector<768x512xf32>
    %get3A_5 = arith.constant 0 : index
    %get3A_6 = arith.constant 0 : index
    %get3A_7 = vector.load %arg7[%get3A_5, %get3A_6] : memref<1x512xf32, #tpu.memory_space<vmem>>, vector<1x512xf32>
    %dot_general3A = arith.constant dense<0.000000e+00> : vector<256x512xf32>
    %dot_general3A_8 = tpu.matmul %get3A_1, %get3A_4, %dot_general3A {dimension_numbers = #tpu.dot_dimension_numbers<[1], [0], [0], [1], [0, 0, 1, 1], [], []>, transpose_lhs_hint = false} : vector<256x768xf32>, vector<768x512xf32>, vector<256x512xf32> -> vector<256x512xf32>
    %add3A = vector.broadcast %get3A_7 : vector<1x512xf32> to vector<256x512xf32>
    %add3A_9 = arith.addf %dot_general3A_8, %add3A : vector<256x512xf32>
    %swap3A = arith.constant 0 : index
    %swap3A_10 = arith.constant 0 : index
    %swap3A_11 = vector.load %arg10[%swap3A, %swap3A_10] : memref<256x512xf32, #tpu.memory_space<vmem>>, vector<256x512xf32>
    tpu.vector_store %arg10[%swap3A, %swap3A_10], %add3A_9 {strides = array<i32>} : memref<256x512xf32, #tpu.memory_space<vmem>>, vector<256x512xf32>,
    %get3A_12 = arith.constant 0 : index
    %get3A_13 = arith.constant 0 : index
    %get3A_14 = vector.load %arg2[%get3A_12, %get3A_13] : memref<256x1024xf32, #tpu.memory_space<vmem>>, vector<256x1024xf32>
    %get3A_15 = arith.constant 0 : index
    %get3A_16 = arith.constant 0 : index
    %get3A_17 = vector.load %arg5[%get3A_15, %get3A_16] : memref<1024x512xf32, #tpu.memory_space<vmem>>, vector<1024x512xf32>
    %get3A_18 = arith.constant 0 : index
    %get3A_19 = arith.constant 0 : index
    %get3A_20 = vector.load %arg8[%get3A_18, %get3A_19] : memref<1x512xf32, #tpu.memory_space<vmem>>, vector<1x512xf32>
    %dot_general3A_21 = arith.constant dense<0.000000e+00> : vector<256x512xf32>
    %dot_general3A_22 = tpu.matmul %get3A_14, %get3A_17, %dot_general3A_21 {dimension_numbers = #tpu.dot_dimension_numbers<[1], [0], [0], [1], [0, 0, 1, 1], [], []>, transpose_lhs_hint = false} : vector<256x1024xf32>, vector<1024x512xf32>, vector<256x512xf32> -> vector<256x512xf32>
    %add3A_23 = vector.broadcast %get3A_20 : vector<1x512xf32> to vector<256x512xf32>
    %add3A_24 = arith.addf %dot_general3A_22, %add3A_23 : vector<256x512xf32>
    %swap3A_25 = arith.constant 0 : index
    %swap3A_26 = arith.constant 0 : index
    %swap3A_27 = vector.load %arg11[%swap3A_25, %swap3A_26] : memref<256x512xf32, #tpu.memory_space<vmem>>, vector<256x512xf32>
    tpu.vector_store %arg11[%swap3A_25, %swap3A_26], %add3A_24 {strides = array<i32>} : memref<256x512xf32, #tpu.memory_space<vmem>>, vector<256x512xf32>,
    %get3A_28 = arith.constant 0 : index
    %get3A_29 = arith.constant 0 : index
    %get3A_30 = vector.load %arg3[%get3A_28, %get3A_29] : memref<256x512xf32, #tpu.memory_space<vmem>>, vector<256x512xf32>
    %get3A_31 = arith.constant 0 : index
    %get3A_32 = arith.constant 0 : index
    %get3A_33 = vector.load %arg6[%get3A_31, %get3A_32] : memref<512x512xf32, #tpu.memory_space<vmem>>, vector<512x512xf32>
    %get3A_34 = arith.constant 0 : index
    %get3A_35 = arith.constant 0 : index
    %get3A_36 = vector.load %arg9[%get3A_34, %get3A_35] : memref<1x512xf32, #tpu.memory_space<vmem>>, vector<1x512xf32>
    %dot_general3A_37 = arith.constant dense<0.000000e+00> : vector<256x512xf32>
    %dot_general3A_38 = tpu.matmul %get3A_30, %get3A_33, %dot_general3A_37 {dimension_numbers = #tpu.dot_dimension_numbers<[1], [0], [0], [1], [0, 0, 1, 1], [], []>, transpose_lhs_hint = false} : vector<256x512xf32>, vector<512x512xf32>, vector<256x512xf32> -> vector<256x512xf32>
    %add3A_39 = vector.broadcast %get3A_36 : vector<1x512xf32> to vector<256x512xf32>
    %add3A_40 = arith.addf %dot_general3A_38, %add3A_39 : vector<256x512xf32>
    %swap3A_41 = arith.constant 0 : index
    %swap3A_42 = arith.constant 0 : index
    %swap3A_43 = vector.load %arg12[%swap3A_41, %swap3A_42] : memref<256x512xf32, #tpu.memory_space<vmem>>, vector<256x512xf32>
    tpu.vector_store %arg12[%swap3A_41, %swap3A_42], %add3A_40 {strides = array<i32>} : memref<256x512xf32, #tpu.memory_space<vmem>>, vector<256x512xf32>,
    return
  }
  func.func @transform_0(%arg0: i32) -> (i32, i32) {
    %c0_i32 = arith.constant 0 : i32
    %c0_i32_0 = arith.constant 0 : i32
    return %arg0, %c0_i32 : i32, i32
  }
  func.func @transform_1(%arg0: i32) -> (i32, i32) {
    %c0_i32 = arith.constant 0 : i32
    %c0_i32_0 = arith.constant 0 : i32
    return %arg0, %c0_i32 : i32, i32
  }
  func.func @transform_2(%arg0: i32) -> (i32, i32) {
    %c0_i32 = arith.constant 0 : i32
    %c0_i32_0 = arith.constant 0 : i32
    return %arg0, %c0_i32 : i32, i32
  }
  func.func @transform_3(%arg0: i32) -> (i32, i32) {
    %c0_i32 = arith.constant 0 : i32
    %c0_i32_0 = arith.constant 0 : i32
    %c0_i32_1 = arith.constant 0 : i32
    return %c0_i32, %c0_i32_0 : i32, i32
  }
  func.func @transform_4(%arg0: i32) -> (i32, i32) {
    %c0_i32 = arith.constant 0 : i32
    %c0_i32_0 = arith.constant 0 : i32
    %c0_i32_1 = arith.constant 0 : i32
    return %c0_i32, %c0_i32_0 : i32, i32
  }
  func.func @transform_5(%arg0: i32) -> (i32, i32) {
    %c0_i32 = arith.constant 0 : i32
    %c0_i32_0 = arith.constant 0 : i32
    %c0_i32_1 = arith.constant 0 : i32
    return %c0_i32, %c0_i32_0 : i32, i32
  }
  func.func @transform_6(%arg0: i32) -> (i32, i32) {
    %c0_i32 = arith.constant 0 : i32
    %c0_i32_0 = arith.constant 0 : i32
    %c0_i32_1 = arith.constant 0 : i32
    return %c0_i32, %c0_i32_0 : i32, i32
  }
  func.func @transform_7(%arg0: i32) -> (i32, i32) {
    %c0_i32 = arith.constant 0 : i32
    %c0_i32_0 = arith.constant 0 : i32
    %c0_i32_1 = arith.constant 0 : i32
    return %c0_i32, %c0_i32_0 : i32, i32
  }
  func.func @transform_8(%arg0: i32) -> (i32, i32) {
    %c0_i32 = arith.constant 0 : i32
    %c0_i32_0 = arith.constant 0 : i32
    %c0_i32_1 = arith.constant 0 : i32
    return %c0_i32, %c0_i32_0 : i32, i32
  }
  func.func @transform_9(%arg0: i32) -> (i32, i32) {
    %c0_i32 = arith.constant 0 : i32
    %c0_i32_0 = arith.constant 0 : i32
    return %arg0, %c0_i32 : i32, i32
  }
  func.func @transform_10(%arg0: i32) -> (i32, i32) {
    %c0_i32 = arith.constant 0 : i32
    %c0_i32_0 = arith.constant 0 : i32
    return %arg0, %c0_i32 : i32, i32
  }
  func.func @transform_11(%arg0: i32) -> (i32, i32) {
    %c0_i32 = arith.constant 0 : i32
    %c0_i32_0 = arith.constant 0 : i32
    return %arg0, %c0_i32 : i32, i32
  }
}

module attributes {stable_mosaic.version = 14 : i64} {
  func.func @_topk_kernel(%arg0: i32, %arg1: memref<1024x512xf32, #tpu.memory_space<vmem>>, %arg2: memref<2048x512xf32, #tpu.memory_space<vmem>>, %arg3: memref<1024x10xf32, #tpu.memory_space<vmem>>, %arg4: memref<1024x10xi32, #tpu.memory_space<vmem>>) attributes {dimension_semantics = [#tpu.dimension_semantics<arbitrary>], iteration_bounds = array<i64: 49>, scalar_prefetch = 0 : i64, scratch_operands = 0 : i64, tpu.core_type = #tpu.core_type<tc>, window_params = [{pipeline_mode = #tpu.pipeline_mode<synchronous>, transform_indices = @transform_0, window_bounds = array<i64: 1024, 512>}, {transform_indices = @transform_1, window_bounds = array<i64: 2048, 512>}, {pipeline_mode = #tpu.pipeline_mode<synchronous>, transform_indices = @transform_2, window_bounds = array<i64: 1024, 10>}, {pipeline_mode = #tpu.pipeline_mode<synchronous>, transform_indices = @transform_3, window_bounds = array<i64: 1024, 10>}]} {
    %eq3A = arith.constant 0 : i32
    %eq3A_0 = arith.cmpi eq, %arg0, %eq3A : i32
    %convert_element_type3A = arith.extui %eq3A_0 : i1 to i32
    %cond3A = arith.constant 0 : i32
    %cond3A_1 = arith.cmpi ne, %convert_element_type3A, %cond3A : i32
    scf.if %cond3A_1 {
      %broadcast_in_dim3A_434 = arith.constant 0xFF800000 : f32
      %broadcast_in_dim3A_435 = vector.broadcast %broadcast_in_dim3A_434 : f32 to vector<1024x10xf32>
      %swap3A_436 = arith.constant 0 : index
      %swap3A_437 = arith.constant 0 : index
      %swap3A_438 = vector.load %arg3[%swap3A_436, %swap3A_437] : memref<1024x10xf32, #tpu.memory_space<vmem>>, vector<1024x10xf32>
      tpu.vector_store %arg3[%swap3A_436, %swap3A_437], %broadcast_in_dim3A_435 {strides = array<i32>} : memref<1024x10xf32, #tpu.memory_space<vmem>>, vector<1024x10xf32>,
      %broadcast_in_dim3A_439 = arith.constant 0 : i32
      %broadcast_in_dim3A_440 = vector.broadcast %broadcast_in_dim3A_439 : i32 to vector<1024x10xi32>
      %swap3A_441 = arith.constant 0 : index
      %swap3A_442 = arith.constant 0 : index
      %swap3A_443 = vector.load %arg4[%swap3A_441, %swap3A_442] : memref<1024x10xi32, #tpu.memory_space<vmem>>, vector<1024x10xi32>
      tpu.vector_store %arg4[%swap3A_441, %swap3A_442], %broadcast_in_dim3A_440 {strides = array<i32>} : memref<1024x10xi32, #tpu.memory_space<vmem>>, vector<1024x10xi32>,
    } else {
    }
    %get3A = arith.constant 0 : index
    %get3A_2 = arith.constant 0 : index
    %get3A_3 = vector.load %arg2[%get3A, %get3A_2] : memref<2048x512xf32, #tpu.memory_space<vmem>>, vector<2048x512xf32>
    %get3A_4 = arith.constant 0 : index
    %get3A_5 = arith.constant 0 : index
    %get3A_6 = vector.load %arg1[%get3A_4, %get3A_5] : memref<1024x512xf32, #tpu.memory_space<vmem>>, vector<1024x512xf32>
    %dot_general3A = arith.constant dense<0.000000e+00> : vector<1024x2048xf32>
    %dot_general3A_7 = tpu.matmul %get3A_6, %get3A_3, %dot_general3A {dimension_numbers = #tpu.dot_dimension_numbers<[1], [1], [0], [0], [0, 0, 1, 0], [], []>, transpose_lhs_hint = false} : vector<1024x512xf32>, vector<2048x512xf32>, vector<1024x2048xf32> -> vector<1024x2048xf32>
    %mul3A = arith.constant 2048 : i32
    %mul3A_8 = arith.muli %arg0, %mul3A : i32
    %iota3A = tpu.iota {dimensions = array<i32: 1>} : vector<1024x2048xi32>
    %add3A = vector.broadcast %mul3A_8 : i32 to vector<1024x2048xi32>
    %add3A_9 = arith.addi %iota3A, %add3A : vector<1024x2048xi32>
    %lt3A = arith.constant 100000 : i32
    %lt3A_10 = vector.broadcast %lt3A : i32 to vector<1024x2048xi32>
    %lt3A_11 = arith.cmpi slt, %add3A_9, %lt3A_10 : vector<1024x2048xi32>
    %jit3A = arith.constant 0xFF800000 : f32
    %broadcast_in_dim3A = vector.broadcast %jit3A : f32 to vector<1024x2048xf32>
    %select_n3A = arith.select %lt3A_11, %dot_general3A_7, %broadcast_in_dim3A : vector<1024x2048xi1>, vector<1024x2048xf32>
    %reduce_max3A = arith.constant dense<0xFF800000> : vector<1024xf32>
    %reduce_max3A_12 = vector.multi_reduction <maximumf>, %select_n3A, %reduce_max3A [1] : vector<1024x2048xf32> to vector<1024xf32>
    %broadcast_in_dim3A_13 = vector.shape_cast %reduce_max3A_12 : vector<1024xf32> to vector<1024x1xf32>
    %eq3A_14 = vector.broadcast %broadcast_in_dim3A_13 : vector<1024x1xf32> to vector<1024x2048xf32>
    %eq3A_15 = arith.cmpf oeq, %select_n3A, %eq3A_14 : vector<1024x2048xf32>
    %jit3A_16 = arith.constant 2048 : i32
    %broadcast_in_dim3A_17 = vector.broadcast %jit3A_16 : i32 to vector<1024x2048xi32>
    %select_n3A_18 = arith.select %eq3A_15, %iota3A, %broadcast_in_dim3A_17 : vector<1024x2048xi1>, vector<1024x2048xi32>
    %reduce_min3A = arith.constant dense<2147483647> : vector<1024xi32>
    %reduce_min3A_19 = vector.multi_reduction <minsi>, %select_n3A_18, %reduce_min3A [1] : vector<1024x2048xi32> to vector<1024xi32>
    %broadcast_in_dim3A_20 = vector.shape_cast %reduce_min3A_19 : vector<1024xi32> to vector<1024x1xi32>
    %add3A_21 = vector.broadcast %mul3A_8 : i32 to vector<1024x1xi32>
    %add3A_22 = arith.addi %broadcast_in_dim3A_20, %add3A_21 : vector<1024x1xi32>
    %eq3A_23 = vector.broadcast %broadcast_in_dim3A_20 : vector<1024x1xi32> to vector<1024x2048xi32>
    %eq3A_24 = arith.cmpi eq, %iota3A, %eq3A_23 : vector<1024x2048xi32>
    %jit3A_25 = arith.constant 0xFF800000 : f32
    %broadcast_in_dim3A_26 = vector.broadcast %jit3A_25 : f32 to vector<1024x2048xf32>
    %select_n3A_27 = arith.select %eq3A_24, %broadcast_in_dim3A_26, %select_n3A : vector<1024x2048xi1>, vector<1024x2048xf32>
    %reduce_max3A_28 = arith.constant dense<0xFF800000> : vector<1024xf32>
    %reduce_max3A_29 = vector.multi_reduction <maximumf>, %select_n3A_27, %reduce_max3A_28 [1] : vector<1024x2048xf32> to vector<1024xf32>
    %broadcast_in_dim3A_30 = vector.shape_cast %reduce_max3A_29 : vector<1024xf32> to vector<1024x1xf32>
    %eq3A_31 = vector.broadcast %broadcast_in_dim3A_30 : vector<1024x1xf32> to vector<1024x2048xf32>
    %eq3A_32 = arith.cmpf oeq, %select_n3A_27, %eq3A_31 : vector<1024x2048xf32>
    %jit3A_33 = arith.constant 2048 : i32
    %broadcast_in_dim3A_34 = vector.broadcast %jit3A_33 : i32 to vector<1024x2048xi32>
    %select_n3A_35 = arith.select %eq3A_32, %iota3A, %broadcast_in_dim3A_34 : vector<1024x2048xi1>, vector<1024x2048xi32>
    %reduce_min3A_36 = arith.constant dense<2147483647> : vector<1024xi32>
    %reduce_min3A_37 = vector.multi_reduction <minsi>, %select_n3A_35, %reduce_min3A_36 [1] : vector<1024x2048xi32> to vector<1024xi32>
    %broadcast_in_dim3A_38 = vector.shape_cast %reduce_min3A_37 : vector<1024xi32> to vector<1024x1xi32>
    %add3A_39 = vector.broadcast %mul3A_8 : i32 to vector<1024x1xi32>
    %add3A_40 = arith.addi %broadcast_in_dim3A_38, %add3A_39 : vector<1024x1xi32>
    %eq3A_41 = vector.broadcast %broadcast_in_dim3A_38 : vector<1024x1xi32> to vector<1024x2048xi32>
    %eq3A_42 = arith.cmpi eq, %iota3A, %eq3A_41 : vector<1024x2048xi32>
    %jit3A_43 = arith.constant 0xFF800000 : f32
    %broadcast_in_dim3A_44 = vector.broadcast %jit3A_43 : f32 to vector<1024x2048xf32>
    %select_n3A_45 = arith.select %eq3A_42, %broadcast_in_dim3A_44, %select_n3A_27 : vector<1024x2048xi1>, vector<1024x2048xf32>
    %reduce_max3A_46 = arith.constant dense<0xFF800000> : vector<1024xf32>
    %reduce_max3A_47 = vector.multi_reduction <maximumf>, %select_n3A_45, %reduce_max3A_46 [1] : vector<1024x2048xf32> to vector<1024xf32>
    %broadcast_in_dim3A_48 = vector.shape_cast %reduce_max3A_47 : vector<1024xf32> to vector<1024x1xf32>
    %eq3A_49 = vector.broadcast %broadcast_in_dim3A_48 : vector<1024x1xf32> to vector<1024x2048xf32>
    %eq3A_50 = arith.cmpf oeq, %select_n3A_45, %eq3A_49 : vector<1024x2048xf32>
    %jit3A_51 = arith.constant 2048 : i32
    %broadcast_in_dim3A_52 = vector.broadcast %jit3A_51 : i32 to vector<1024x2048xi32>
    %select_n3A_53 = arith.select %eq3A_50, %iota3A, %broadcast_in_dim3A_52 : vector<1024x2048xi1>, vector<1024x2048xi32>
    %reduce_min3A_54 = arith.constant dense<2147483647> : vector<1024xi32>
    %reduce_min3A_55 = vector.multi_reduction <minsi>, %select_n3A_53, %reduce_min3A_54 [1] : vector<1024x2048xi32> to vector<1024xi32>
    %broadcast_in_dim3A_56 = vector.shape_cast %reduce_min3A_55 : vector<1024xi32> to vector<1024x1xi32>
    %add3A_57 = vector.broadcast %mul3A_8 : i32 to vector<1024x1xi32>
    %add3A_58 = arith.addi %broadcast_in_dim3A_56, %add3A_57 : vector<1024x1xi32>
    %eq3A_59 = vector.broadcast %broadcast_in_dim3A_56 : vector<1024x1xi32> to vector<1024x2048xi32>
    %eq3A_60 = arith.cmpi eq, %iota3A, %eq3A_59 : vector<1024x2048xi32>
    %jit3A_61 = arith.constant 0xFF800000 : f32
    %broadcast_in_dim3A_62 = vector.broadcast %jit3A_61 : f32 to vector<1024x2048xf32>
    %select_n3A_63 = arith.select %eq3A_60, %broadcast_in_dim3A_62, %select_n3A_45 : vector<1024x2048xi1>, vector<1024x2048xf32>
    %reduce_max3A_64 = arith.constant dense<0xFF800000> : vector<1024xf32>
    %reduce_max3A_65 = vector.multi_reduction <maximumf>, %select_n3A_63, %reduce_max3A_64 [1] : vector<1024x2048xf32> to vector<1024xf32>
    %broadcast_in_dim3A_66 = vector.shape_cast %reduce_max3A_65 : vector<1024xf32> to vector<1024x1xf32>
    %eq3A_67 = vector.broadcast %broadcast_in_dim3A_66 : vector<1024x1xf32> to vector<1024x2048xf32>
    %eq3A_68 = arith.cmpf oeq, %select_n3A_63, %eq3A_67 : vector<1024x2048xf32>
    %jit3A_69 = arith.constant 2048 : i32
    %broadcast_in_dim3A_70 = vector.broadcast %jit3A_69 : i32 to vector<1024x2048xi32>
    %select_n3A_71 = arith.select %eq3A_68, %iota3A, %broadcast_in_dim3A_70 : vector<1024x2048xi1>, vector<1024x2048xi32>
    %reduce_min3A_72 = arith.constant dense<2147483647> : vector<1024xi32>
    %reduce_min3A_73 = vector.multi_reduction <minsi>, %select_n3A_71, %reduce_min3A_72 [1] : vector<1024x2048xi32> to vector<1024xi32>
    %broadcast_in_dim3A_74 = vector.shape_cast %reduce_min3A_73 : vector<1024xi32> to vector<1024x1xi32>
    %add3A_75 = vector.broadcast %mul3A_8 : i32 to vector<1024x1xi32>
    %add3A_76 = arith.addi %broadcast_in_dim3A_74, %add3A_75 : vector<1024x1xi32>
    %eq3A_77 = vector.broadcast %broadcast_in_dim3A_74 : vector<1024x1xi32> to vector<1024x2048xi32>
    %eq3A_78 = arith.cmpi eq, %iota3A, %eq3A_77 : vector<1024x2048xi32>
    %jit3A_79 = arith.constant 0xFF800000 : f32
    %broadcast_in_dim3A_80 = vector.broadcast %jit3A_79 : f32 to vector<1024x2048xf32>
    %select_n3A_81 = arith.select %eq3A_78, %broadcast_in_dim3A_80, %select_n3A_63 : vector<1024x2048xi1>, vector<1024x2048xf32>
    %reduce_max3A_82 = arith.constant dense<0xFF800000> : vector<1024xf32>
    %reduce_max3A_83 = vector.multi_reduction <maximumf>, %select_n3A_81, %reduce_max3A_82 [1] : vector<1024x2048xf32> to vector<1024xf32>
    %broadcast_in_dim3A_84 = vector.shape_cast %reduce_max3A_83 : vector<1024xf32> to vector<1024x1xf32>
    %eq3A_85 = vector.broadcast %broadcast_in_dim3A_84 : vector<1024x1xf32> to vector<1024x2048xf32>
    %eq3A_86 = arith.cmpf oeq, %select_n3A_81, %eq3A_85 : vector<1024x2048xf32>
    %jit3A_87 = arith.constant 2048 : i32
    %broadcast_in_dim3A_88 = vector.broadcast %jit3A_87 : i32 to vector<1024x2048xi32>
    %select_n3A_89 = arith.select %eq3A_86, %iota3A, %broadcast_in_dim3A_88 : vector<1024x2048xi1>, vector<1024x2048xi32>
    %reduce_min3A_90 = arith.constant dense<2147483647> : vector<1024xi32>
    %reduce_min3A_91 = vector.multi_reduction <minsi>, %select_n3A_89, %reduce_min3A_90 [1] : vector<1024x2048xi32> to vector<1024xi32>
    %broadcast_in_dim3A_92 = vector.shape_cast %reduce_min3A_91 : vector<1024xi32> to vector<1024x1xi32>
    %add3A_93 = vector.broadcast %mul3A_8 : i32 to vector<1024x1xi32>
    %add3A_94 = arith.addi %broadcast_in_dim3A_92, %add3A_93 : vector<1024x1xi32>
    %eq3A_95 = vector.broadcast %broadcast_in_dim3A_92 : vector<1024x1xi32> to vector<1024x2048xi32>
    %eq3A_96 = arith.cmpi eq, %iota3A, %eq3A_95 : vector<1024x2048xi32>
    %jit3A_97 = arith.constant 0xFF800000 : f32
    %broadcast_in_dim3A_98 = vector.broadcast %jit3A_97 : f32 to vector<1024x2048xf32>
    %select_n3A_99 = arith.select %eq3A_96, %broadcast_in_dim3A_98, %select_n3A_81 : vector<1024x2048xi1>, vector<1024x2048xf32>
    %reduce_max3A_100 = arith.constant dense<0xFF800000> : vector<1024xf32>
    %reduce_max3A_101 = vector.multi_reduction <maximumf>, %select_n3A_99, %reduce_max3A_100 [1] : vector<1024x2048xf32> to vector<1024xf32>
    %broadcast_in_dim3A_102 = vector.shape_cast %reduce_max3A_101 : vector<1024xf32> to vector<1024x1xf32>
    %eq3A_103 = vector.broadcast %broadcast_in_dim3A_102 : vector<1024x1xf32> to vector<1024x2048xf32>
    %eq3A_104 = arith.cmpf oeq, %select_n3A_99, %eq3A_103 : vector<1024x2048xf32>
    %jit3A_105 = arith.constant 2048 : i32
    %broadcast_in_dim3A_106 = vector.broadcast %jit3A_105 : i32 to vector<1024x2048xi32>
    %select_n3A_107 = arith.select %eq3A_104, %iota3A, %broadcast_in_dim3A_106 : vector<1024x2048xi1>, vector<1024x2048xi32>
    %reduce_min3A_108 = arith.constant dense<2147483647> : vector<1024xi32>
    %reduce_min3A_109 = vector.multi_reduction <minsi>, %select_n3A_107, %reduce_min3A_108 [1] : vector<1024x2048xi32> to vector<1024xi32>
    %broadcast_in_dim3A_110 = vector.shape_cast %reduce_min3A_109 : vector<1024xi32> to vector<1024x1xi32>
    %add3A_111 = vector.broadcast %mul3A_8 : i32 to vector<1024x1xi32>
    %add3A_112 = arith.addi %broadcast_in_dim3A_110, %add3A_111 : vector<1024x1xi32>
    %eq3A_113 = vector.broadcast %broadcast_in_dim3A_110 : vector<1024x1xi32> to vector<1024x2048xi32>
    %eq3A_114 = arith.cmpi eq, %iota3A, %eq3A_113 : vector<1024x2048xi32>
    %jit3A_115 = arith.constant 0xFF800000 : f32
    %broadcast_in_dim3A_116 = vector.broadcast %jit3A_115 : f32 to vector<1024x2048xf32>
    %select_n3A_117 = arith.select %eq3A_114, %broadcast_in_dim3A_116, %select_n3A_99 : vector<1024x2048xi1>, vector<1024x2048xf32>
    %reduce_max3A_118 = arith.constant dense<0xFF800000> : vector<1024xf32>
    %reduce_max3A_119 = vector.multi_reduction <maximumf>, %select_n3A_117, %reduce_max3A_118 [1] : vector<1024x2048xf32> to vector<1024xf32>
    %broadcast_in_dim3A_120 = vector.shape_cast %reduce_max3A_119 : vector<1024xf32> to vector<1024x1xf32>
    %eq3A_121 = vector.broadcast %broadcast_in_dim3A_120 : vector<1024x1xf32> to vector<1024x2048xf32>
    %eq3A_122 = arith.cmpf oeq, %select_n3A_117, %eq3A_121 : vector<1024x2048xf32>
    %jit3A_123 = arith.constant 2048 : i32
    %broadcast_in_dim3A_124 = vector.broadcast %jit3A_123 : i32 to vector<1024x2048xi32>
    %select_n3A_125 = arith.select %eq3A_122, %iota3A, %broadcast_in_dim3A_124 : vector<1024x2048xi1>, vector<1024x2048xi32>
    %reduce_min3A_126 = arith.constant dense<2147483647> : vector<1024xi32>
    %reduce_min3A_127 = vector.multi_reduction <minsi>, %select_n3A_125, %reduce_min3A_126 [1] : vector<1024x2048xi32> to vector<1024xi32>
    %broadcast_in_dim3A_128 = vector.shape_cast %reduce_min3A_127 : vector<1024xi32> to vector<1024x1xi32>
    %add3A_129 = vector.broadcast %mul3A_8 : i32 to vector<1024x1xi32>
    %add3A_130 = arith.addi %broadcast_in_dim3A_128, %add3A_129 : vector<1024x1xi32>
    %eq3A_131 = vector.broadcast %broadcast_in_dim3A_128 : vector<1024x1xi32> to vector<1024x2048xi32>
    %eq3A_132 = arith.cmpi eq, %iota3A, %eq3A_131 : vector<1024x2048xi32>
    %jit3A_133 = arith.constant 0xFF800000 : f32
    %broadcast_in_dim3A_134 = vector.broadcast %jit3A_133 : f32 to vector<1024x2048xf32>
    %select_n3A_135 = arith.select %eq3A_132, %broadcast_in_dim3A_134, %select_n3A_117 : vector<1024x2048xi1>, vector<1024x2048xf32>
    %reduce_max3A_136 = arith.constant dense<0xFF800000> : vector<1024xf32>
    %reduce_max3A_137 = vector.multi_reduction <maximumf>, %select_n3A_135, %reduce_max3A_136 [1] : vector<1024x2048xf32> to vector<1024xf32>
    %broadcast_in_dim3A_138 = vector.shape_cast %reduce_max3A_137 : vector<1024xf32> to vector<1024x1xf32>
    %eq3A_139 = vector.broadcast %broadcast_in_dim3A_138 : vector<1024x1xf32> to vector<1024x2048xf32>
    %eq3A_140 = arith.cmpf oeq, %select_n3A_135, %eq3A_139 : vector<1024x2048xf32>
    %jit3A_141 = arith.constant 2048 : i32
    %broadcast_in_dim3A_142 = vector.broadcast %jit3A_141 : i32 to vector<1024x2048xi32>
    %select_n3A_143 = arith.select %eq3A_140, %iota3A, %broadcast_in_dim3A_142 : vector<1024x2048xi1>, vector<1024x2048xi32>
    %reduce_min3A_144 = arith.constant dense<2147483647> : vector<1024xi32>
    %reduce_min3A_145 = vector.multi_reduction <minsi>, %select_n3A_143, %reduce_min3A_144 [1] : vector<1024x2048xi32> to vector<1024xi32>
    %broadcast_in_dim3A_146 = vector.shape_cast %reduce_min3A_145 : vector<1024xi32> to vector<1024x1xi32>
    %add3A_147 = vector.broadcast %mul3A_8 : i32 to vector<1024x1xi32>
    %add3A_148 = arith.addi %broadcast_in_dim3A_146, %add3A_147 : vector<1024x1xi32>
    %eq3A_149 = vector.broadcast %broadcast_in_dim3A_146 : vector<1024x1xi32> to vector<1024x2048xi32>
    %eq3A_150 = arith.cmpi eq, %iota3A, %eq3A_149 : vector<1024x2048xi32>
    %jit3A_151 = arith.constant 0xFF800000 : f32
    %broadcast_in_dim3A_152 = vector.broadcast %jit3A_151 : f32 to vector<1024x2048xf32>
    %select_n3A_153 = arith.select %eq3A_150, %broadcast_in_dim3A_152, %select_n3A_135 : vector<1024x2048xi1>, vector<1024x2048xf32>
    %reduce_max3A_154 = arith.constant dense<0xFF800000> : vector<1024xf32>
    %reduce_max3A_155 = vector.multi_reduction <maximumf>, %select_n3A_153, %reduce_max3A_154 [1] : vector<1024x2048xf32> to vector<1024xf32>
    %broadcast_in_dim3A_156 = vector.shape_cast %reduce_max3A_155 : vector<1024xf32> to vector<1024x1xf32>
    %eq3A_157 = vector.broadcast %broadcast_in_dim3A_156 : vector<1024x1xf32> to vector<1024x2048xf32>
    %eq3A_158 = arith.cmpf oeq, %select_n3A_153, %eq3A_157 : vector<1024x2048xf32>
    %jit3A_159 = arith.constant 2048 : i32
    %broadcast_in_dim3A_160 = vector.broadcast %jit3A_159 : i32 to vector<1024x2048xi32>
    %select_n3A_161 = arith.select %eq3A_158, %iota3A, %broadcast_in_dim3A_160 : vector<1024x2048xi1>, vector<1024x2048xi32>
    %reduce_min3A_162 = arith.constant dense<2147483647> : vector<1024xi32>
    %reduce_min3A_163 = vector.multi_reduction <minsi>, %select_n3A_161, %reduce_min3A_162 [1] : vector<1024x2048xi32> to vector<1024xi32>
    %broadcast_in_dim3A_164 = vector.shape_cast %reduce_min3A_163 : vector<1024xi32> to vector<1024x1xi32>
    %add3A_165 = vector.broadcast %mul3A_8 : i32 to vector<1024x1xi32>
    %add3A_166 = arith.addi %broadcast_in_dim3A_164, %add3A_165 : vector<1024x1xi32>
    %eq3A_167 = vector.broadcast %broadcast_in_dim3A_164 : vector<1024x1xi32> to vector<1024x2048xi32>
    %eq3A_168 = arith.cmpi eq, %iota3A, %eq3A_167 : vector<1024x2048xi32>
    %jit3A_169 = arith.constant 0xFF800000 : f32
    %broadcast_in_dim3A_170 = vector.broadcast %jit3A_169 : f32 to vector<1024x2048xf32>
    %select_n3A_171 = arith.select %eq3A_168, %broadcast_in_dim3A_170, %select_n3A_153 : vector<1024x2048xi1>, vector<1024x2048xf32>
    %reduce_max3A_172 = arith.constant dense<0xFF800000> : vector<1024xf32>
    %reduce_max3A_173 = vector.multi_reduction <maximumf>, %select_n3A_171, %reduce_max3A_172 [1] : vector<1024x2048xf32> to vector<1024xf32>
    %broadcast_in_dim3A_174 = vector.shape_cast %reduce_max3A_173 : vector<1024xf32> to vector<1024x1xf32>
    %eq3A_175 = vector.broadcast %broadcast_in_dim3A_174 : vector<1024x1xf32> to vector<1024x2048xf32>
    %eq3A_176 = arith.cmpf oeq, %select_n3A_171, %eq3A_175 : vector<1024x2048xf32>
    %jit3A_177 = arith.constant 2048 : i32
    %broadcast_in_dim3A_178 = vector.broadcast %jit3A_177 : i32 to vector<1024x2048xi32>
    %select_n3A_179 = arith.select %eq3A_176, %iota3A, %broadcast_in_dim3A_178 : vector<1024x2048xi1>, vector<1024x2048xi32>
    %reduce_min3A_180 = arith.constant dense<2147483647> : vector<1024xi32>
    %reduce_min3A_181 = vector.multi_reduction <minsi>, %select_n3A_179, %reduce_min3A_180 [1] : vector<1024x2048xi32> to vector<1024xi32>
    %broadcast_in_dim3A_182 = vector.shape_cast %reduce_min3A_181 : vector<1024xi32> to vector<1024x1xi32>
    %add3A_183 = vector.broadcast %mul3A_8 : i32 to vector<1024x1xi32>
    %add3A_184 = arith.addi %broadcast_in_dim3A_182, %add3A_183 : vector<1024x1xi32>
    %get3A_185 = arith.constant 0 : index
    %get3A_186 = arith.constant 0 : index
    %get3A_187 = vector.load %arg3[%get3A_185, %get3A_186] : memref<1024x10xf32, #tpu.memory_space<vmem>>, vector<1024x10xf32>
    %concatenate3A = tpu.concatenate %get3A_187, %broadcast_in_dim3A_13, %broadcast_in_dim3A_30, %broadcast_in_dim3A_48, %broadcast_in_dim3A_66, %broadcast_in_dim3A_84, %broadcast_in_dim3A_102, %broadcast_in_dim3A_120, %broadcast_in_dim3A_138, %broadcast_in_dim3A_156, %broadcast_in_dim3A_174 in 1 : vector<1024x10xf32>, vector<1024x1xf32>, vector<1024x1xf32>, vector<1024x1xf32>, vector<1024x1xf32>, vector<1024x1xf32>, vector<1024x1xf32>, vector<1024x1xf32>, vector<1024x1xf32>, vector<1024x1xf32>, vector<1024x1xf32> -> vector<1024x20xf32>
    %get3A_188 = arith.constant 0 : index
    %get3A_189 = arith.constant 0 : index
    %get3A_190 = vector.load %arg4[%get3A_188, %get3A_189] : memref<1024x10xi32, #tpu.memory_space<vmem>>, vector<1024x10xi32>
    %concatenate3A_191 = tpu.concatenate %get3A_190, %add3A_22, %add3A_40, %add3A_58, %add3A_76, %add3A_94, %add3A_112, %add3A_130, %add3A_148, %add3A_166, %add3A_184 in 1 : vector<1024x10xi32>, vector<1024x1xi32>, vector<1024x1xi32>, vector<1024x1xi32>, vector<1024x1xi32>, vector<1024x1xi32>, vector<1024x1xi32>, vector<1024x1xi32>, vector<1024x1xi32>, vector<1024x1xi32>, vector<1024x1xi32> -> vector<1024x20xi32>
    %iota3A_192 = tpu.iota {dimensions = array<i32: 1>} : vector<1024x20xi32>
    %reduce_max3A_193 = arith.constant dense<0xFF800000> : vector<1024xf32>
    %reduce_max3A_194 = vector.multi_reduction <maximumf>, %concatenate3A, %reduce_max3A_193 [1] : vector<1024x20xf32> to vector<1024xf32>
    %broadcast_in_dim3A_195 = vector.shape_cast %reduce_max3A_194 : vector<1024xf32> to vector<1024x1xf32>
    %eq3A_196 = vector.broadcast %broadcast_in_dim3A_195 : vector<1024x1xf32> to vector<1024x20xf32>
    %eq3A_197 = arith.cmpf oeq, %concatenate3A, %eq3A_196 : vector<1024x20xf32>
    %jit3A_198 = arith.constant 20 : i32
    %broadcast_in_dim3A_199 = vector.broadcast %jit3A_198 : i32 to vector<1024x20xi32>
    %select_n3A_200 = arith.select %eq3A_197, %iota3A_192, %broadcast_in_dim3A_199 : vector<1024x20xi1>, vector<1024x20xi32>
    %reduce_min3A_201 = arith.constant dense<2147483647> : vector<1024xi32>
    %reduce_min3A_202 = vector.multi_reduction <minsi>, %select_n3A_200, %reduce_min3A_201 [1] : vector<1024x20xi32> to vector<1024xi32>
    %broadcast_in_dim3A_203 = vector.shape_cast %reduce_min3A_202 : vector<1024xi32> to vector<1024x1xi32>
    %eq3A_204 = vector.broadcast %broadcast_in_dim3A_203 : vector<1024x1xi32> to vector<1024x20xi32>
    %eq3A_205 = arith.cmpi eq, %iota3A_192, %eq3A_204 : vector<1024x20xi32>
    %jit3A_206 = arith.constant 0 : i32
    %broadcast_in_dim3A_207 = vector.broadcast %jit3A_206 : i32 to vector<1024x20xi32>
    %select_n3A_208 = arith.select %eq3A_205, %concatenate3A_191, %broadcast_in_dim3A_207 : vector<1024x20xi1>, vector<1024x20xi32>
    %reduce_sum3A = arith.constant dense<0> : vector<1024xi32>
    %reduce_sum3A_209 = vector.multi_reduction <add>, %select_n3A_208, %reduce_sum3A [1] : vector<1024x20xi32> to vector<1024xi32>
    %broadcast_in_dim3A_210 = vector.shape_cast %reduce_sum3A_209 : vector<1024xi32> to vector<1024x1xi32>
    %eq3A_211 = vector.broadcast %broadcast_in_dim3A_203 : vector<1024x1xi32> to vector<1024x20xi32>
    %eq3A_212 = arith.cmpi eq, %iota3A_192, %eq3A_211 : vector<1024x20xi32>
    %jit3A_213 = arith.constant 0xFF800000 : f32
    %broadcast_in_dim3A_214 = vector.broadcast %jit3A_213 : f32 to vector<1024x20xf32>
    %select_n3A_215 = arith.select %eq3A_212, %broadcast_in_dim3A_214, %concatenate3A : vector<1024x20xi1>, vector<1024x20xf32>
    %reduce_max3A_216 = arith.constant dense<0xFF800000> : vector<1024xf32>
    %reduce_max3A_217 = vector.multi_reduction <maximumf>, %select_n3A_215, %reduce_max3A_216 [1] : vector<1024x20xf32> to vector<1024xf32>
    %broadcast_in_dim3A_218 = vector.shape_cast %reduce_max3A_217 : vector<1024xf32> to vector<1024x1xf32>
    %eq3A_219 = vector.broadcast %broadcast_in_dim3A_218 : vector<1024x1xf32> to vector<1024x20xf32>
    %eq3A_220 = arith.cmpf oeq, %select_n3A_215, %eq3A_219 : vector<1024x20xf32>
    %jit3A_221 = arith.constant 20 : i32
    %broadcast_in_dim3A_222 = vector.broadcast %jit3A_221 : i32 to vector<1024x20xi32>
    %select_n3A_223 = arith.select %eq3A_220, %iota3A_192, %broadcast_in_dim3A_222 : vector<1024x20xi1>, vector<1024x20xi32>
    %reduce_min3A_224 = arith.constant dense<2147483647> : vector<1024xi32>
    %reduce_min3A_225 = vector.multi_reduction <minsi>, %select_n3A_223, %reduce_min3A_224 [1] : vector<1024x20xi32> to vector<1024xi32>
    %broadcast_in_dim3A_226 = vector.shape_cast %reduce_min3A_225 : vector<1024xi32> to vector<1024x1xi32>
    %eq3A_227 = vector.broadcast %broadcast_in_dim3A_226 : vector<1024x1xi32> to vector<1024x20xi32>
    %eq3A_228 = arith.cmpi eq, %iota3A_192, %eq3A_227 : vector<1024x20xi32>
    %jit3A_229 = arith.constant 0 : i32
    %broadcast_in_dim3A_230 = vector.broadcast %jit3A_229 : i32 to vector<1024x20xi32>
    %select_n3A_231 = arith.select %eq3A_228, %concatenate3A_191, %broadcast_in_dim3A_230 : vector<1024x20xi1>, vector<1024x20xi32>
    %reduce_sum3A_232 = arith.constant dense<0> : vector<1024xi32>
    %reduce_sum3A_233 = vector.multi_reduction <add>, %select_n3A_231, %reduce_sum3A_232 [1] : vector<1024x20xi32> to vector<1024xi32>
    %broadcast_in_dim3A_234 = vector.shape_cast %reduce_sum3A_233 : vector<1024xi32> to vector<1024x1xi32>
    %eq3A_235 = vector.broadcast %broadcast_in_dim3A_226 : vector<1024x1xi32> to vector<1024x20xi32>
    %eq3A_236 = arith.cmpi eq, %iota3A_192, %eq3A_235 : vector<1024x20xi32>
    %jit3A_237 = arith.constant 0xFF800000 : f32
    %broadcast_in_dim3A_238 = vector.broadcast %jit3A_237 : f32 to vector<1024x20xf32>
    %select_n3A_239 = arith.select %eq3A_236, %broadcast_in_dim3A_238, %select_n3A_215 : vector<1024x20xi1>, vector<1024x20xf32>
    %reduce_max3A_240 = arith.constant dense<0xFF800000> : vector<1024xf32>
    %reduce_max3A_241 = vector.multi_reduction <maximumf>, %select_n3A_239, %reduce_max3A_240 [1] : vector<1024x20xf32> to vector<1024xf32>
    %broadcast_in_dim3A_242 = vector.shape_cast %reduce_max3A_241 : vector<1024xf32> to vector<1024x1xf32>
    %eq3A_243 = vector.broadcast %broadcast_in_dim3A_242 : vector<1024x1xf32> to vector<1024x20xf32>
    %eq3A_244 = arith.cmpf oeq, %select_n3A_239, %eq3A_243 : vector<1024x20xf32>
    %jit3A_245 = arith.constant 20 : i32
    %broadcast_in_dim3A_246 = vector.broadcast %jit3A_245 : i32 to vector<1024x20xi32>
    %select_n3A_247 = arith.select %eq3A_244, %iota3A_192, %broadcast_in_dim3A_246 : vector<1024x20xi1>, vector<1024x20xi32>
    %reduce_min3A_248 = arith.constant dense<2147483647> : vector<1024xi32>
    %reduce_min3A_249 = vector.multi_reduction <minsi>, %select_n3A_247, %reduce_min3A_248 [1] : vector<1024x20xi32> to vector<1024xi32>
    %broadcast_in_dim3A_250 = vector.shape_cast %reduce_min3A_249 : vector<1024xi32> to vector<1024x1xi32>
    %eq3A_251 = vector.broadcast %broadcast_in_dim3A_250 : vector<1024x1xi32> to vector<1024x20xi32>
    %eq3A_252 = arith.cmpi eq, %iota3A_192, %eq3A_251 : vector<1024x20xi32>
    %jit3A_253 = arith.constant 0 : i32
    %broadcast_in_dim3A_254 = vector.broadcast %jit3A_253 : i32 to vector<1024x20xi32>
    %select_n3A_255 = arith.select %eq3A_252, %concatenate3A_191, %broadcast_in_dim3A_254 : vector<1024x20xi1>, vector<1024x20xi32>
    %reduce_sum3A_256 = arith.constant dense<0> : vector<1024xi32>
    %reduce_sum3A_257 = vector.multi_reduction <add>, %select_n3A_255, %reduce_sum3A_256 [1] : vector<1024x20xi32> to vector<1024xi32>
    %broadcast_in_dim3A_258 = vector.shape_cast %reduce_sum3A_257 : vector<1024xi32> to vector<1024x1xi32>
    %eq3A_259 = vector.broadcast %broadcast_in_dim3A_250 : vector<1024x1xi32> to vector<1024x20xi32>
    %eq3A_260 = arith.cmpi eq, %iota3A_192, %eq3A_259 : vector<1024x20xi32>
    %jit3A_261 = arith.constant 0xFF800000 : f32
    %broadcast_in_dim3A_262 = vector.broadcast %jit3A_261 : f32 to vector<1024x20xf32>
    %select_n3A_263 = arith.select %eq3A_260, %broadcast_in_dim3A_262, %select_n3A_239 : vector<1024x20xi1>, vector<1024x20xf32>
    %reduce_max3A_264 = arith.constant dense<0xFF800000> : vector<1024xf32>
    %reduce_max3A_265 = vector.multi_reduction <maximumf>, %select_n3A_263, %reduce_max3A_264 [1] : vector<1024x20xf32> to vector<1024xf32>
    %broadcast_in_dim3A_266 = vector.shape_cast %reduce_max3A_265 : vector<1024xf32> to vector<1024x1xf32>
    %eq3A_267 = vector.broadcast %broadcast_in_dim3A_266 : vector<1024x1xf32> to vector<1024x20xf32>
    %eq3A_268 = arith.cmpf oeq, %select_n3A_263, %eq3A_267 : vector<1024x20xf32>
    %jit3A_269 = arith.constant 20 : i32
    %broadcast_in_dim3A_270 = vector.broadcast %jit3A_269 : i32 to vector<1024x20xi32>
    %select_n3A_271 = arith.select %eq3A_268, %iota3A_192, %broadcast_in_dim3A_270 : vector<1024x20xi1>, vector<1024x20xi32>
    %reduce_min3A_272 = arith.constant dense<2147483647> : vector<1024xi32>
    %reduce_min3A_273 = vector.multi_reduction <minsi>, %select_n3A_271, %reduce_min3A_272 [1] : vector<1024x20xi32> to vector<1024xi32>
    %broadcast_in_dim3A_274 = vector.shape_cast %reduce_min3A_273 : vector<1024xi32> to vector<1024x1xi32>
    %eq3A_275 = vector.broadcast %broadcast_in_dim3A_274 : vector<1024x1xi32> to vector<1024x20xi32>
    %eq3A_276 = arith.cmpi eq, %iota3A_192, %eq3A_275 : vector<1024x20xi32>
    %jit3A_277 = arith.constant 0 : i32
    %broadcast_in_dim3A_278 = vector.broadcast %jit3A_277 : i32 to vector<1024x20xi32>
    %select_n3A_279 = arith.select %eq3A_276, %concatenate3A_191, %broadcast_in_dim3A_278 : vector<1024x20xi1>, vector<1024x20xi32>
    %reduce_sum3A_280 = arith.constant dense<0> : vector<1024xi32>
    %reduce_sum3A_281 = vector.multi_reduction <add>, %select_n3A_279, %reduce_sum3A_280 [1] : vector<1024x20xi32> to vector<1024xi32>
    %broadcast_in_dim3A_282 = vector.shape_cast %reduce_sum3A_281 : vector<1024xi32> to vector<1024x1xi32>
    %eq3A_283 = vector.broadcast %broadcast_in_dim3A_274 : vector<1024x1xi32> to vector<1024x20xi32>
    %eq3A_284 = arith.cmpi eq, %iota3A_192, %eq3A_283 : vector<1024x20xi32>
    %jit3A_285 = arith.constant 0xFF800000 : f32
    %broadcast_in_dim3A_286 = vector.broadcast %jit3A_285 : f32 to vector<1024x20xf32>
    %select_n3A_287 = arith.select %eq3A_284, %broadcast_in_dim3A_286, %select_n3A_263 : vector<1024x20xi1>, vector<1024x20xf32>
    %reduce_max3A_288 = arith.constant dense<0xFF800000> : vector<1024xf32>
    %reduce_max3A_289 = vector.multi_reduction <maximumf>, %select_n3A_287, %reduce_max3A_288 [1] : vector<1024x20xf32> to vector<1024xf32>
    %broadcast_in_dim3A_290 = vector.shape_cast %reduce_max3A_289 : vector<1024xf32> to vector<1024x1xf32>
    %eq3A_291 = vector.broadcast %broadcast_in_dim3A_290 : vector<1024x1xf32> to vector<1024x20xf32>
    %eq3A_292 = arith.cmpf oeq, %select_n3A_287, %eq3A_291 : vector<1024x20xf32>
    %jit3A_293 = arith.constant 20 : i32
    %broadcast_in_dim3A_294 = vector.broadcast %jit3A_293 : i32 to vector<1024x20xi32>
    %select_n3A_295 = arith.select %eq3A_292, %iota3A_192, %broadcast_in_dim3A_294 : vector<1024x20xi1>, vector<1024x20xi32>
    %reduce_min3A_296 = arith.constant dense<2147483647> : vector<1024xi32>
    %reduce_min3A_297 = vector.multi_reduction <minsi>, %select_n3A_295, %reduce_min3A_296 [1] : vector<1024x20xi32> to vector<1024xi32>
    %broadcast_in_dim3A_298 = vector.shape_cast %reduce_min3A_297 : vector<1024xi32> to vector<1024x1xi32>
    %eq3A_299 = vector.broadcast %broadcast_in_dim3A_298 : vector<1024x1xi32> to vector<1024x20xi32>
    %eq3A_300 = arith.cmpi eq, %iota3A_192, %eq3A_299 : vector<1024x20xi32>
    %jit3A_301 = arith.constant 0 : i32
    %broadcast_in_dim3A_302 = vector.broadcast %jit3A_301 : i32 to vector<1024x20xi32>
    %select_n3A_303 = arith.select %eq3A_300, %concatenate3A_191, %broadcast_in_dim3A_302 : vector<1024x20xi1>, vector<1024x20xi32>
    %reduce_sum3A_304 = arith.constant dense<0> : vector<1024xi32>
    %reduce_sum3A_305 = vector.multi_reduction <add>, %select_n3A_303, %reduce_sum3A_304 [1] : vector<1024x20xi32> to vector<1024xi32>
    %broadcast_in_dim3A_306 = vector.shape_cast %reduce_sum3A_305 : vector<1024xi32> to vector<1024x1xi32>
    %eq3A_307 = vector.broadcast %broadcast_in_dim3A_298 : vector<1024x1xi32> to vector<1024x20xi32>
    %eq3A_308 = arith.cmpi eq, %iota3A_192, %eq3A_307 : vector<1024x20xi32>
    %jit3A_309 = arith.constant 0xFF800000 : f32
    %broadcast_in_dim3A_310 = vector.broadcast %jit3A_309 : f32 to vector<1024x20xf32>
    %select_n3A_311 = arith.select %eq3A_308, %broadcast_in_dim3A_310, %select_n3A_287 : vector<1024x20xi1>, vector<1024x20xf32>
    %reduce_max3A_312 = arith.constant dense<0xFF800000> : vector<1024xf32>
    %reduce_max3A_313 = vector.multi_reduction <maximumf>, %select_n3A_311, %reduce_max3A_312 [1] : vector<1024x20xf32> to vector<1024xf32>
    %broadcast_in_dim3A_314 = vector.shape_cast %reduce_max3A_313 : vector<1024xf32> to vector<1024x1xf32>
    %eq3A_315 = vector.broadcast %broadcast_in_dim3A_314 : vector<1024x1xf32> to vector<1024x20xf32>
    %eq3A_316 = arith.cmpf oeq, %select_n3A_311, %eq3A_315 : vector<1024x20xf32>
    %jit3A_317 = arith.constant 20 : i32
    %broadcast_in_dim3A_318 = vector.broadcast %jit3A_317 : i32 to vector<1024x20xi32>
    %select_n3A_319 = arith.select %eq3A_316, %iota3A_192, %broadcast_in_dim3A_318 : vector<1024x20xi1>, vector<1024x20xi32>
    %reduce_min3A_320 = arith.constant dense<2147483647> : vector<1024xi32>
    %reduce_min3A_321 = vector.multi_reduction <minsi>, %select_n3A_319, %reduce_min3A_320 [1] : vector<1024x20xi32> to vector<1024xi32>
    %broadcast_in_dim3A_322 = vector.shape_cast %reduce_min3A_321 : vector<1024xi32> to vector<1024x1xi32>
    %eq3A_323 = vector.broadcast %broadcast_in_dim3A_322 : vector<1024x1xi32> to vector<1024x20xi32>
    %eq3A_324 = arith.cmpi eq, %iota3A_192, %eq3A_323 : vector<1024x20xi32>
    %jit3A_325 = arith.constant 0 : i32
    %broadcast_in_dim3A_326 = vector.broadcast %jit3A_325 : i32 to vector<1024x20xi32>
    %select_n3A_327 = arith.select %eq3A_324, %concatenate3A_191, %broadcast_in_dim3A_326 : vector<1024x20xi1>, vector<1024x20xi32>
    %reduce_sum3A_328 = arith.constant dense<0> : vector<1024xi32>
    %reduce_sum3A_329 = vector.multi_reduction <add>, %select_n3A_327, %reduce_sum3A_328 [1] : vector<1024x20xi32> to vector<1024xi32>
    %broadcast_in_dim3A_330 = vector.shape_cast %reduce_sum3A_329 : vector<1024xi32> to vector<1024x1xi32>
    %eq3A_331 = vector.broadcast %broadcast_in_dim3A_322 : vector<1024x1xi32> to vector<1024x20xi32>
    %eq3A_332 = arith.cmpi eq, %iota3A_192, %eq3A_331 : vector<1024x20xi32>
    %jit3A_333 = arith.constant 0xFF800000 : f32
    %broadcast_in_dim3A_334 = vector.broadcast %jit3A_333 : f32 to vector<1024x20xf32>
    %select_n3A_335 = arith.select %eq3A_332, %broadcast_in_dim3A_334, %select_n3A_311 : vector<1024x20xi1>, vector<1024x20xf32>
    %reduce_max3A_336 = arith.constant dense<0xFF800000> : vector<1024xf32>
    %reduce_max3A_337 = vector.multi_reduction <maximumf>, %select_n3A_335, %reduce_max3A_336 [1] : vector<1024x20xf32> to vector<1024xf32>
    %broadcast_in_dim3A_338 = vector.shape_cast %reduce_max3A_337 : vector<1024xf32> to vector<1024x1xf32>
    %eq3A_339 = vector.broadcast %broadcast_in_dim3A_338 : vector<1024x1xf32> to vector<1024x20xf32>
    %eq3A_340 = arith.cmpf oeq, %select_n3A_335, %eq3A_339 : vector<1024x20xf32>
    %jit3A_341 = arith.constant 20 : i32
    %broadcast_in_dim3A_342 = vector.broadcast %jit3A_341 : i32 to vector<1024x20xi32>
    %select_n3A_343 = arith.select %eq3A_340, %iota3A_192, %broadcast_in_dim3A_342 : vector<1024x20xi1>, vector<1024x20xi32>
    %reduce_min3A_344 = arith.constant dense<2147483647> : vector<1024xi32>
    %reduce_min3A_345 = vector.multi_reduction <minsi>, %select_n3A_343, %reduce_min3A_344 [1] : vector<1024x20xi32> to vector<1024xi32>
    %broadcast_in_dim3A_346 = vector.shape_cast %reduce_min3A_345 : vector<1024xi32> to vector<1024x1xi32>
    %eq3A_347 = vector.broadcast %broadcast_in_dim3A_346 : vector<1024x1xi32> to vector<1024x20xi32>
    %eq3A_348 = arith.cmpi eq, %iota3A_192, %eq3A_347 : vector<1024x20xi32>
    %jit3A_349 = arith.constant 0 : i32
    %broadcast_in_dim3A_350 = vector.broadcast %jit3A_349 : i32 to vector<1024x20xi32>
    %select_n3A_351 = arith.select %eq3A_348, %concatenate3A_191, %broadcast_in_dim3A_350 : vector<1024x20xi1>, vector<1024x20xi32>
    %reduce_sum3A_352 = arith.constant dense<0> : vector<1024xi32>
    %reduce_sum3A_353 = vector.multi_reduction <add>, %select_n3A_351, %reduce_sum3A_352 [1] : vector<1024x20xi32> to vector<1024xi32>
    %broadcast_in_dim3A_354 = vector.shape_cast %reduce_sum3A_353 : vector<1024xi32> to vector<1024x1xi32>
    %eq3A_355 = vector.broadcast %broadcast_in_dim3A_346 : vector<1024x1xi32> to vector<1024x20xi32>
    %eq3A_356 = arith.cmpi eq, %iota3A_192, %eq3A_355 : vector<1024x20xi32>
    %jit3A_357 = arith.constant 0xFF800000 : f32
    %broadcast_in_dim3A_358 = vector.broadcast %jit3A_357 : f32 to vector<1024x20xf32>
    %select_n3A_359 = arith.select %eq3A_356, %broadcast_in_dim3A_358, %select_n3A_335 : vector<1024x20xi1>, vector<1024x20xf32>
    %reduce_max3A_360 = arith.constant dense<0xFF800000> : vector<1024xf32>
    %reduce_max3A_361 = vector.multi_reduction <maximumf>, %select_n3A_359, %reduce_max3A_360 [1] : vector<1024x20xf32> to vector<1024xf32>
    %broadcast_in_dim3A_362 = vector.shape_cast %reduce_max3A_361 : vector<1024xf32> to vector<1024x1xf32>
    %eq3A_363 = vector.broadcast %broadcast_in_dim3A_362 : vector<1024x1xf32> to vector<1024x20xf32>
    %eq3A_364 = arith.cmpf oeq, %select_n3A_359, %eq3A_363 : vector<1024x20xf32>
    %jit3A_365 = arith.constant 20 : i32
    %broadcast_in_dim3A_366 = vector.broadcast %jit3A_365 : i32 to vector<1024x20xi32>
    %select_n3A_367 = arith.select %eq3A_364, %iota3A_192, %broadcast_in_dim3A_366 : vector<1024x20xi1>, vector<1024x20xi32>
    %reduce_min3A_368 = arith.constant dense<2147483647> : vector<1024xi32>
    %reduce_min3A_369 = vector.multi_reduction <minsi>, %select_n3A_367, %reduce_min3A_368 [1] : vector<1024x20xi32> to vector<1024xi32>
    %broadcast_in_dim3A_370 = vector.shape_cast %reduce_min3A_369 : vector<1024xi32> to vector<1024x1xi32>
    %eq3A_371 = vector.broadcast %broadcast_in_dim3A_370 : vector<1024x1xi32> to vector<1024x20xi32>
    %eq3A_372 = arith.cmpi eq, %iota3A_192, %eq3A_371 : vector<1024x20xi32>
    %jit3A_373 = arith.constant 0 : i32
    %broadcast_in_dim3A_374 = vector.broadcast %jit3A_373 : i32 to vector<1024x20xi32>
    %select_n3A_375 = arith.select %eq3A_372, %concatenate3A_191, %broadcast_in_dim3A_374 : vector<1024x20xi1>, vector<1024x20xi32>
    %reduce_sum3A_376 = arith.constant dense<0> : vector<1024xi32>
    %reduce_sum3A_377 = vector.multi_reduction <add>, %select_n3A_375, %reduce_sum3A_376 [1] : vector<1024x20xi32> to vector<1024xi32>
    %broadcast_in_dim3A_378 = vector.shape_cast %reduce_sum3A_377 : vector<1024xi32> to vector<1024x1xi32>
    %eq3A_379 = vector.broadcast %broadcast_in_dim3A_370 : vector<1024x1xi32> to vector<1024x20xi32>
    %eq3A_380 = arith.cmpi eq, %iota3A_192, %eq3A_379 : vector<1024x20xi32>
    %jit3A_381 = arith.constant 0xFF800000 : f32
    %broadcast_in_dim3A_382 = vector.broadcast %jit3A_381 : f32 to vector<1024x20xf32>
    %select_n3A_383 = arith.select %eq3A_380, %broadcast_in_dim3A_382, %select_n3A_359 : vector<1024x20xi1>, vector<1024x20xf32>
    %reduce_max3A_384 = arith.constant dense<0xFF800000> : vector<1024xf32>
    %reduce_max3A_385 = vector.multi_reduction <maximumf>, %select_n3A_383, %reduce_max3A_384 [1] : vector<1024x20xf32> to vector<1024xf32>
    %broadcast_in_dim3A_386 = vector.shape_cast %reduce_max3A_385 : vector<1024xf32> to vector<1024x1xf32>
    %eq3A_387 = vector.broadcast %broadcast_in_dim3A_386 : vector<1024x1xf32> to vector<1024x20xf32>
    %eq3A_388 = arith.cmpf oeq, %select_n3A_383, %eq3A_387 : vector<1024x20xf32>
    %jit3A_389 = arith.constant 20 : i32
    %broadcast_in_dim3A_390 = vector.broadcast %jit3A_389 : i32 to vector<1024x20xi32>
    %select_n3A_391 = arith.select %eq3A_388, %iota3A_192, %broadcast_in_dim3A_390 : vector<1024x20xi1>, vector<1024x20xi32>
    %reduce_min3A_392 = arith.constant dense<2147483647> : vector<1024xi32>
    %reduce_min3A_393 = vector.multi_reduction <minsi>, %select_n3A_391, %reduce_min3A_392 [1] : vector<1024x20xi32> to vector<1024xi32>
    %broadcast_in_dim3A_394 = vector.shape_cast %reduce_min3A_393 : vector<1024xi32> to vector<1024x1xi32>
    %eq3A_395 = vector.broadcast %broadcast_in_dim3A_394 : vector<1024x1xi32> to vector<1024x20xi32>
    %eq3A_396 = arith.cmpi eq, %iota3A_192, %eq3A_395 : vector<1024x20xi32>
    %jit3A_397 = arith.constant 0 : i32
    %broadcast_in_dim3A_398 = vector.broadcast %jit3A_397 : i32 to vector<1024x20xi32>
    %select_n3A_399 = arith.select %eq3A_396, %concatenate3A_191, %broadcast_in_dim3A_398 : vector<1024x20xi1>, vector<1024x20xi32>
    %reduce_sum3A_400 = arith.constant dense<0> : vector<1024xi32>
    %reduce_sum3A_401 = vector.multi_reduction <add>, %select_n3A_399, %reduce_sum3A_400 [1] : vector<1024x20xi32> to vector<1024xi32>
    %broadcast_in_dim3A_402 = vector.shape_cast %reduce_sum3A_401 : vector<1024xi32> to vector<1024x1xi32>
    %eq3A_403 = vector.broadcast %broadcast_in_dim3A_394 : vector<1024x1xi32> to vector<1024x20xi32>
    %eq3A_404 = arith.cmpi eq, %iota3A_192, %eq3A_403 : vector<1024x20xi32>
    %jit3A_405 = arith.constant 0xFF800000 : f32
    %broadcast_in_dim3A_406 = vector.broadcast %jit3A_405 : f32 to vector<1024x20xf32>
    %select_n3A_407 = arith.select %eq3A_404, %broadcast_in_dim3A_406, %select_n3A_383 : vector<1024x20xi1>, vector<1024x20xf32>
    %reduce_max3A_408 = arith.constant dense<0xFF800000> : vector<1024xf32>
    %reduce_max3A_409 = vector.multi_reduction <maximumf>, %select_n3A_407, %reduce_max3A_408 [1] : vector<1024x20xf32> to vector<1024xf32>
    %broadcast_in_dim3A_410 = vector.shape_cast %reduce_max3A_409 : vector<1024xf32> to vector<1024x1xf32>
    %eq3A_411 = vector.broadcast %broadcast_in_dim3A_410 : vector<1024x1xf32> to vector<1024x20xf32>
    %eq3A_412 = arith.cmpf oeq, %select_n3A_407, %eq3A_411 : vector<1024x20xf32>
    %jit3A_413 = arith.constant 20 : i32
    %broadcast_in_dim3A_414 = vector.broadcast %jit3A_413 : i32 to vector<1024x20xi32>
    %select_n3A_415 = arith.select %eq3A_412, %iota3A_192, %broadcast_in_dim3A_414 : vector<1024x20xi1>, vector<1024x20xi32>
    %reduce_min3A_416 = arith.constant dense<2147483647> : vector<1024xi32>
    %reduce_min3A_417 = vector.multi_reduction <minsi>, %select_n3A_415, %reduce_min3A_416 [1] : vector<1024x20xi32> to vector<1024xi32>
    %broadcast_in_dim3A_418 = vector.shape_cast %reduce_min3A_417 : vector<1024xi32> to vector<1024x1xi32>
    %eq3A_419 = vector.broadcast %broadcast_in_dim3A_418 : vector<1024x1xi32> to vector<1024x20xi32>
    %eq3A_420 = arith.cmpi eq, %iota3A_192, %eq3A_419 : vector<1024x20xi32>
    %jit3A_421 = arith.constant 0 : i32
    %broadcast_in_dim3A_422 = vector.broadcast %jit3A_421 : i32 to vector<1024x20xi32>
    %select_n3A_423 = arith.select %eq3A_420, %concatenate3A_191, %broadcast_in_dim3A_422 : vector<1024x20xi1>, vector<1024x20xi32>
    %reduce_sum3A_424 = arith.constant dense<0> : vector<1024xi32>
    %reduce_sum3A_425 = vector.multi_reduction <add>, %select_n3A_423, %reduce_sum3A_424 [1] : vector<1024x20xi32> to vector<1024xi32>
    %broadcast_in_dim3A_426 = vector.shape_cast %reduce_sum3A_425 : vector<1024xi32> to vector<1024x1xi32>
    %concatenate3A_427 = tpu.concatenate %broadcast_in_dim3A_195, %broadcast_in_dim3A_218, %broadcast_in_dim3A_242, %broadcast_in_dim3A_266, %broadcast_in_dim3A_290, %broadcast_in_dim3A_314, %broadcast_in_dim3A_338, %broadcast_in_dim3A_362, %broadcast_in_dim3A_386, %broadcast_in_dim3A_410 in 1 : vector<1024x1xf32>, vector<1024x1xf32>, vector<1024x1xf32>, vector<1024x1xf32>, vector<1024x1xf32>, vector<1024x1xf32>, vector<1024x1xf32>, vector<1024x1xf32>, vector<1024x1xf32>, vector<1024x1xf32> -> vector<1024x10xf32>
    %swap3A = arith.constant 0 : index
    %swap3A_428 = arith.constant 0 : index
    %swap3A_429 = vector.load %arg3[%swap3A, %swap3A_428] : memref<1024x10xf32, #tpu.memory_space<vmem>>, vector<1024x10xf32>
    tpu.vector_store %arg3[%swap3A, %swap3A_428], %concatenate3A_427 {strides = array<i32>} : memref<1024x10xf32, #tpu.memory_space<vmem>>, vector<1024x10xf32>,
    %concatenate3A_430 = tpu.concatenate %broadcast_in_dim3A_210, %broadcast_in_dim3A_234, %broadcast_in_dim3A_258, %broadcast_in_dim3A_282, %broadcast_in_dim3A_306, %broadcast_in_dim3A_330, %broadcast_in_dim3A_354, %broadcast_in_dim3A_378, %broadcast_in_dim3A_402, %broadcast_in_dim3A_426 in 1 : vector<1024x1xi32>, vector<1024x1xi32>, vector<1024x1xi32>, vector<1024x1xi32>, vector<1024x1xi32>, vector<1024x1xi32>, vector<1024x1xi32>, vector<1024x1xi32>, vector<1024x1xi32>, vector<1024x1xi32> -> vector<1024x10xi32>
    %swap3A_431 = arith.constant 0 : index
    %swap3A_432 = arith.constant 0 : index
    %swap3A_433 = vector.load %arg4[%swap3A_431, %swap3A_432] : memref<1024x10xi32, #tpu.memory_space<vmem>>, vector<1024x10xi32>
    tpu.vector_store %arg4[%swap3A_431, %swap3A_432], %concatenate3A_430 {strides = array<i32>} : memref<1024x10xi32, #tpu.memory_space<vmem>>, vector<1024x10xi32>,
    return
  }
  func.func @transform_0(%arg0: i32) -> (i32, i32) {
    %c0_i32 = arith.constant 0 : i32
    %c0_i32_0 = arith.constant 0 : i32
    %c0_i32_1 = arith.constant 0 : i32
    return %c0_i32, %c0_i32_0 : i32, i32
  }
  func.func @transform_1(%arg0: i32) -> (i32, i32) {
    %c0_i32 = arith.constant 0 : i32
    %c0_i32_0 = arith.constant 0 : i32
    return %arg0, %c0_i32 : i32, i32
  }
  func.func @transform_2(%arg0: i32) -> (i32, i32) {
    %c0_i32 = arith.constant 0 : i32
    %c0_i32_0 = arith.constant 0 : i32
    %c0_i32_1 = arith.constant 0 : i32
    return %c0_i32, %c0_i32_0 : i32, i32
  }
  func.func @transform_3(%arg0: i32) -> (i32, i32) {
    %c0_i32 = arith.constant 0 : i32
    %c0_i32_0 = arith.constant 0 : i32
    %c0_i32_1 = arith.constant 0 : i32
    return %c0_i32, %c0_i32_0 : i32, i32
  }
}

module attributes {stable_mosaic.version = 14 : i64} {
  func.func @_ret_kernel(%arg0: i32, %arg1: memref<256x10xf32, #tpu.memory_space<vmem>>, %arg2: memref<256x10x512xf32, #tpu.memory_space<vmem>>, %arg3: memref<256x512xf32, #tpu.memory_space<vmem>>) attributes {dimension_semantics = [#tpu.dimension_semantics<arbitrary>], iteration_bounds = array<i64: 4>, scalar_prefetch = 0 : i64, scratch_operands = 0 : i64, tpu.core_type = #tpu.core_type<tc>, window_params = [{transform_indices = @transform_0, window_bounds = array<i64: 256, 10>}, {transform_indices = @transform_1, window_bounds = array<i64: 256, 10, 512>}, {transform_indices = @transform_2, window_bounds = array<i64: 256, 512>}]} {
    %get3A = arith.constant 0 : index
    %get3A_0 = arith.constant 0 : index
    %get3A_1 = vector.load %arg1[%get3A, %get3A_0] : memref<256x10xf32, #tpu.memory_space<vmem>>, vector<256x10xf32>
    %div3A = arith.constant 1.000000e-01 : f32
    %div3A_2 = vector.broadcast %div3A : f32 to vector<256x10xf32>
    %div3A_3 = arith.divf %get3A_1, %div3A_2 : vector<256x10xf32>
    %reduce_max3A = arith.constant dense<0xFF800000> : vector<256xf32>
    %reduce_max3A_4 = vector.multi_reduction <maximumf>, %div3A_3, %reduce_max3A [1] : vector<256x10xf32> to vector<256xf32>
    %max3A = arith.constant 0xFF800000 : f32
    %max3A_5 = vector.broadcast %max3A : f32 to vector<256xf32>
    %max3A_6 = arith.maximumf %max3A_5, %reduce_max3A_4 : vector<256xf32>
    %broadcast_in_dim3A = vector.shape_cast %max3A_6 : vector<256xf32> to vector<256x1xf32>
    %sub3A = vector.broadcast %broadcast_in_dim3A : vector<256x1xf32> to vector<256x10xf32>
    %sub3A_7 = arith.subf %div3A_3, %sub3A : vector<256x10xf32>
    %exp3A = math.exp %sub3A_7 : vector<256x10xf32>
    %reduce_sum3A = arith.constant dense<0.000000e+00> : vector<256xf32>
    %reduce_sum3A_8 = vector.multi_reduction <add>, %exp3A, %reduce_sum3A [1] : vector<256x10xf32> to vector<256xf32>
    %broadcast_in_dim3A_9 = vector.shape_cast %reduce_sum3A_8 : vector<256xf32> to vector<256x1xf32>
    %div3A_10 = vector.broadcast %broadcast_in_dim3A_9 : vector<256x1xf32> to vector<256x10xf32>
    %div3A_11 = arith.divf %exp3A, %div3A_10 : vector<256x10xf32>
    %broadcast_in_dim3A_12 = vector.shape_cast %div3A_11 : vector<256x10xf32> to vector<256x10x1xf32>
    %get3A_13 = arith.constant 0 : index
    %get3A_14 = arith.constant 0 : index
    %get3A_15 = arith.constant 0 : index
    %get3A_16 = vector.load %arg2[%get3A_13, %get3A_14, %get3A_15] : memref<256x10x512xf32, #tpu.memory_space<vmem>>, vector<256x10x512xf32>
    %mul3A = vector.broadcast %broadcast_in_dim3A_12 : vector<256x10x1xf32> to vector<256x10x512xf32>
    %mul3A_17 = arith.mulf %mul3A, %get3A_16 : vector<256x10x512xf32>
    %reduce_sum3A_18 = arith.constant dense<0.000000e+00> : vector<256x512xf32>
    %reduce_sum3A_19 = vector.multi_reduction <add>, %mul3A_17, %reduce_sum3A_18 [1] : vector<256x10x512xf32> to vector<256x512xf32>
    %swap3A = arith.constant 0 : index
    %swap3A_20 = arith.constant 0 : index
    %swap3A_21 = vector.load %arg3[%swap3A, %swap3A_20] : memref<256x512xf32, #tpu.memory_space<vmem>>, vector<256x512xf32>
    tpu.vector_store %arg3[%swap3A, %swap3A_20], %reduce_sum3A_19 {strides = array<i32>} : memref<256x512xf32, #tpu.memory_space<vmem>>, vector<256x512xf32>,
    return
  }
  func.func @transform_0(%arg0: i32) -> (i32, i32) {
    %c0_i32 = arith.constant 0 : i32
    %c0_i32_0 = arith.constant 0 : i32
    return %arg0, %c0_i32 : i32, i32
  }
  func.func @transform_1(%arg0: i32) -> (i32, i32, i32) {
    %c0_i32 = arith.constant 0 : i32
    %c0_i32_0 = arith.constant 0 : i32
    %c0_i32_1 = arith.constant 0 : i32
    return %arg0, %c0_i32, %c0_i32_0 : i32, i32, i32
  }
  func.func @transform_2(%arg0: i32) -> (i32, i32) {
    %c0_i32 = arith.constant 0 : i32
    %c0_i32_0 = arith.constant 0 : i32
    return %arg0, %c0_i32 : i32, i32
  }
}

module attributes {stable_mosaic.version = 14 : i64} {
  func.func @_logits_kernel(%arg0: i32, %arg1: memref<256x512xf32, #tpu.memory_space<vmem>>, %arg2: memref<4x512xf32, #tpu.memory_space<vmem>>, %arg3: memref<256x4xf32, #tpu.memory_space<vmem>>) attributes {dimension_semantics = [#tpu.dimension_semantics<arbitrary>], iteration_bounds = array<i64: 4>, scalar_prefetch = 0 : i64, scratch_operands = 0 : i64, tpu.core_type = #tpu.core_type<tc>, window_params = [{transform_indices = @transform_0, window_bounds = array<i64: 256, 512>}, {pipeline_mode = #tpu.pipeline_mode<synchronous>, transform_indices = @transform_1, window_bounds = array<i64: 4, 512>}, {transform_indices = @transform_2, window_bounds = array<i64: 256, 4>}]} {
    %get3A = arith.constant 0 : index
    %get3A_0 = arith.constant 0 : index
    %get3A_1 = vector.load %arg1[%get3A, %get3A_0] : memref<256x512xf32, #tpu.memory_space<vmem>>, vector<256x512xf32>
    %mul3A = arith.mulf %get3A_1, %get3A_1 : vector<256x512xf32>
    %reduce_sum3A = arith.constant dense<0.000000e+00> : vector<256xf32>
    %reduce_sum3A_2 = vector.multi_reduction <add>, %mul3A, %reduce_sum3A [1] : vector<256x512xf32> to vector<256xf32>
    %broadcast_in_dim3A = vector.shape_cast %reduce_sum3A_2 : vector<256xf32> to vector<256x1xf32>
    %sqrt3A = math.sqrt %broadcast_in_dim3A : vector<256x1xf32>
    %add3A = arith.constant 9.99999996E-13 : f32
    %add3A_3 = vector.broadcast %add3A : f32 to vector<256x1xf32>
    %add3A_4 = arith.addf %sqrt3A, %add3A_3 : vector<256x1xf32>
    %div3A = vector.broadcast %add3A_4 : vector<256x1xf32> to vector<256x512xf32>
    %div3A_5 = arith.divf %get3A_1, %div3A : vector<256x512xf32>
    %get3A_6 = arith.constant 0 : index
    %get3A_7 = arith.constant 0 : index
    %get3A_8 = vector.load %arg2[%get3A_6, %get3A_7] : memref<4x512xf32, #tpu.memory_space<vmem>>, vector<4x512xf32>
    %mul3A_9 = arith.mulf %get3A_8, %get3A_8 : vector<4x512xf32>
    %reduce_sum3A_10 = arith.constant dense<0.000000e+00> : vector<4xf32>
    %reduce_sum3A_11 = vector.multi_reduction <add>, %mul3A_9, %reduce_sum3A_10 [1] : vector<4x512xf32> to vector<4xf32>
    %broadcast_in_dim3A_12 = vector.shape_cast %reduce_sum3A_11 : vector<4xf32> to vector<4x1xf32>
    %sqrt3A_13 = math.sqrt %broadcast_in_dim3A_12 : vector<4x1xf32>
    %add3A_14 = arith.constant 9.99999996E-13 : f32
    %add3A_15 = vector.broadcast %add3A_14 : f32 to vector<4x1xf32>
    %add3A_16 = arith.addf %sqrt3A_13, %add3A_15 : vector<4x1xf32>
    %div3A_17 = vector.broadcast %add3A_16 : vector<4x1xf32> to vector<4x512xf32>
    %div3A_18 = arith.divf %get3A_8, %div3A_17 : vector<4x512xf32>
    %dot_general3A = arith.constant dense<0.000000e+00> : vector<256x4xf32>
    %dot_general3A_19 = tpu.matmul %div3A_5, %div3A_18, %dot_general3A {dimension_numbers = #tpu.dot_dimension_numbers<[1], [1], [0], [0], [0, 0, 1, 0], [], []>, transpose_lhs_hint = false} : vector<256x512xf32>, vector<4x512xf32>, vector<256x4xf32> -> vector<256x4xf32>
    %div3A_20 = arith.constant 1.000000e-01 : f32
    %div3A_21 = vector.broadcast %div3A_20 : f32 to vector<256x4xf32>
    %div3A_22 = arith.divf %dot_general3A_19, %div3A_21 : vector<256x4xf32>
    %swap3A = arith.constant 0 : index
    %swap3A_23 = arith.constant 0 : index
    %swap3A_24 = vector.load %arg3[%swap3A, %swap3A_23] : memref<256x4xf32, #tpu.memory_space<vmem>>, vector<256x4xf32>
    tpu.vector_store %arg3[%swap3A, %swap3A_23], %div3A_22 {strides = array<i32>} : memref<256x4xf32, #tpu.memory_space<vmem>>, vector<256x4xf32>,
    return
  }
  func.func @transform_0(%arg0: i32) -> (i32, i32) {
    %c0_i32 = arith.constant 0 : i32
    %c0_i32_0 = arith.constant 0 : i32
    return %arg0, %c0_i32 : i32, i32
  }
  func.func @transform_1(%arg0: i32) -> (i32, i32) {
    %c0_i32 = arith.constant 0 : i32
    %c0_i32_0 = arith.constant 0 : i32
    %c0_i32_1 = arith.constant 0 : i32
    return %c0_i32, %c0_i32_0 : i32, i32
  }
  func.func @transform_2(%arg0: i32) -> (i32, i32) {
    %c0_i32 = arith.constant 0 : i32
    %c0_i32_0 = arith.constant 0 : i32
    return %arg0, %c0_i32 : i32, i32
  }
}

</mosaic_0001>

<sc_bundles>
// kernel: kernel.7.cloned.1.call-start
scs
__scs_entry_jumppad:
0x0: {  	(pc) =	sbr.rel $0x88, $3  }
0x1: {  	(tag) =	ssettag $0x0;
	lr =	simm.s32 $0x1  }
0x2: {  	[smem:$0x3F96] =	sst lr;
	_ =	strace $0xD0000000  }
0x3: {  	_ = 	snop  }
0x4: {  	_ = 	snop  }
0x5: {  	_ = 	snop  }
0x6: {  	_ = 	snop  }
0x7: {  	_ = 	snop  }
__scs_overlays_trampoline_lowered:
0x8: {  	[smem:$0x3FA5] =	sst s0  }
0x9: {  	[smem:$0x3FA6] =	sst s1  }
0xa: {  	[smem:$0x3FA7] =	sst s2  }
0xb: {  	[smem:$0x3FA8] =	sst s3  }
0xc: {  	[smem:$0x3FA9] =	sst s4  }
0xd: {  	[smem:$0x3FAA] =	sst s5  }
0xe: {  	[smem:$0x3FAB] =	sst s6  }
0xf: {  	[smem:$0x3FAC] =	sst s7  }
0x10: {  	[smem:$0x3FAD] =	sst s8  }
0x11: {  	[smem:$0x3FAE] =	sst s9;
	s0 =	simm.s32 @!p0 $0x0  }
0x12: {  	s1 =	sld [smem:$0x3F94];
	s0 =	simm.s32 @p0 $0x1  }
0x13: {  	[smem:$0x3FAF] =	sst s0;
	s0 =	simm.s32 @!p1 $0x0  }
0x14: {  	s2 =	sld [smem:$0x3F93];
	s0 =	simm.s32 @p1 $0x1  }
0x15: {  	[smem:$0x3FB0] =	sst s0;
	s0 =	simm.s32 @!p2 $0x0  }
0x16: {  	s3 =	sld [smem:$0x3FDB];
	s0 =	simm.s32 @p2 $0x1  }
0x17: {  	s4 =	simm.s32 $0x1BF5;
	[smem:$0x3FB2] =	sst s0  }
0x18: {  	s0 =	sld [smem:$0x3F95];
	_ =	swait.ge [sflag:s4], $0x0  }
0x19: {  	s7 =	sld [smem:$0x3F96]  }
0x1a: {  	s8 =	sadd.s32 $0xFFFFE003, lr  }
0x1b: {  	s9 =	sadd.s32 $0xFFFFFEF7, lr;
	s5 =	simm.s32 $0xFFFFFFFF;
	p2 =	slt.u32 s8, $0xFFFFF086  }
0x1c: {  	p1 =	slt.u32 s9, $0xF7A;
	s5 =	simm.s32 @!p2 $0x0  }
0x1d: {  	s5 =	simm.s32 @p1 $0x1;
	p0 =	seq.s32 s7, s2  }
0x1e: {  	s7 =	smul.u32 @!p0 $0xF7A, s2;
	p2 =	seq.s32 @!p0 s5, $0x0  }
0x1f: {  	s9 =	smul.u32 $0xF7A, s1;
	s8 =	simm.s32 @!p0 $0x1BF5;
	p2 =	por !p2, p0  }
0x20: {  	[sflag:s8] =	ssyncset.s32 @!p0 $0xFFFFF086;
	s6 =	sadd.s32 @!p0 s3, s7;
	s7 =	simm.s32 @!p0 $0x108  }
0x21: {  	s3 =	sadd.s32 s3, s9;
	s6 =	sadd.s32 @!p0 $0x88, s6;
	s7 =	simm.s32 @p2 $0x1082  }
0x22: {  	[simem:s7], [sflag:s8] =	dma.local @!p0 [hbm:s6], $0xF7A  }
0x23: {  	s9 =	sor.u32 $0xD0000000, s2;
	s6 =	simm.s32 $0x108;
	_ =	swait.ge @!p0 [sflag:s8], $0x0  }
0x24: {  	s3 =	sadd.s32 $0x88, s3;
	s6 =	simm.s32 @!p1 $0x1082;
	[sflag:s4] =	ssyncset.s32 $0xFFFFF086  }
0x25: {  	[simem:s6], [sflag:s4] =	dma.local [hbm:s3], $0xF7A  }
0x26: {  	[smem:$0x3F96] =	sst s1;
	(tag) =	ssettag s2;
	_ =	strace s9  }
0x27: {  	s1 =	sld [smem:$0x3FA6]  }
0x28: {  	s2 =	sld [smem:$0x3FA7]  }
0x29: {  	s4 =	sld [smem:$0x3FA9]  }
0x2a: {  	p0 =	seq.s32 s5, $0x0;
	s5 =	sld [smem:$0x3FAA]  }
0x2b: {  	s6 =	sld [smem:$0x3FAB]  }
0x2c: {  	s7 =	sld [smem:$0x3FAC]  }
0x2d: {  	s3 =	simm.s32 $0x108;
	s8 =	sld [smem:$0x3FAD]  }
0x2e: {  	s3 =	simm.s32 @!p0 $0x1082;
	s9 =	sld [smem:$0x3FAE]  }
0x2f: {  	lr =	sadd.s32 s0, s3;
	s0 =	sld [smem:$0x3FA5]  }
0x30: {  	s3 =	sld [smem:$0x3FA8]  }
0x31: {  	[smem:$0x3FB1] =	sst s10  }
0x32: {  	s10 =	sld [smem:$0x3FAF];
	_ =	sdelay $0x3  }
0x33: {  	p0 =	seq.s32 s10, $0x1;
	s10 =	sld [smem:$0x3FB1];
	_ =	sdelay $0x3  }
0x34: {  	[smem:$0x3FB1] =	sst s10  }
0x35: {  	s10 =	sld [smem:$0x3FB0];
	_ =	sdelay $0x3  }
0x36: {  	p1 =	seq.s32 s10, $0x1;
	s10 =	sld [smem:$0x3FB1];
	_ =	sdelay $0x3  }
0x37: {  	[smem:$0x3FB1] =	sst s10  }
0x38: {  	s10 =	sld [smem:$0x3FB2]  }
0x39: {  	_ = 	snop;
	(pc) =	sbr.ind lr, $3  }
0x3a: {  	_ = 	snop  }
0x3b: {  	_ = 	snop  }
0x3c: {  	p2 =	seq.s32 s10, $0x1;
	s10 =	sld [smem:$0x3FB1]  }
0x3d: {  	_ =	shalt  }
0x3e: {  	_ =	shalt  }
0x3f: {  	_ =	shalt  }
0x40: {  	_ =	shalt  }
0x41: {  	_ =	shalt  }
0x42: {  	_ =	shalt  }
0x43: {  	_ =	shalt  }
0x44: {  	_ =	shalt  }
0x45: {  	_ =	shalt  }
0x46: {  	_ =	shalt  }
0x47: {  	_ =	shalt  }
0x48: {  	_ =	shalt  }
0x49: {  	_ =	shalt  }
0x4a: {  	_ =	shalt  }
0x4b: {  	_ =	shalt  }
0x4c: {  	_ =	shalt  }
0x4d: {  	_ =	shalt  }
0x4e: {  	_ =	shalt  }
0x4f: {  	_ =	shalt  }
0x50: {  	_ =	shalt  }
0x51: {  	_ =	shalt  }
0x52: {  	_ =	shalt  }
0x53: {  	_ =	shalt  }
0x54: {  	_ =	shalt  }
0x55: {  	_ =	shalt  }
0x56: {  	_ =	shalt  }
0x57: {  	_ =	shalt  }
0x58: {  	_ =	shalt  }
0x59: {  	_ =	shalt  }
0x5a: {  	_ =	shalt  }
0x5b: {  	_ =	shalt  }
0x5c: {  	_ =	shalt  }
0x5d: {  	_ =	shalt  }
0x5e: {  	_ =	shalt  }
0x5f: {  	_ =	shalt  }
0x60: {  	_ =	shalt  }
0x61: {  	_ =	shalt  }
0x62: {  	_ =	shalt  }
0x63: {  	_ =	shalt  }
0x64: {  	_ =	shalt  }
0x65: {  	_ =	shalt  }
0x66: {  	_ =	shalt  }
0x67: {  	_ =	shalt  }
0x68: {  	_ =	shalt  }
0x69: {  	_ =	shalt  }
0x6a: {  	_ =	shalt  }
0x6b: {  	_ =	shalt  }
0x6c: {  	_ =	shalt  }
0x6d: {  	_ =	shalt  }
0x6e: {  	_ =	shalt  }
0x6f: {  	_ =	shalt  }
0x70: {  	_ =	shalt  }
0x71: {  	_ =	shalt  }
0x72: {  	_ =	shalt  }
0x73: {  	_ =	shalt  }
0x74: {  	_ =	shalt  }
0x75: {  	_ =	shalt  }
0x76: {  	_ =	shalt  }
0x77: {  	_ =	shalt  }
0x78: {  	_ =	shalt  }
0x79: {  	_ =	shalt  }
0x7a: {  	_ =	shalt  }
0x7b: {  	_ =	shalt  }
0x7c: {  	_ =	shalt  }
0x7d: {  	_ =	shalt  }
0x7e: {  	_ =	shalt  }
0x7f: {  	_ =	shalt  }
0x80: {  	_ =	shalt  }
0x81: {  	_ =	shalt  }
0x82: {  	_ =	shalt  }
0x83: {  	_ =	shalt  }
0x84: {  	_ =	shalt  }
0x85: {  	_ =	shalt  }
0x86: {  	_ =	shalt  }
0x87: {  	_ =	shalt  }
.Lfunc_end0:
.L_simem_size_0:
called_computation_lowered:
.L_overlay_start_0:
0x88: {  	s2 =	sld [smem:$0x3FD9]  }
0x89: {  	s3 =	sld [smem:$0x3FFE];
	_ =	sdelay $0x1  }
0x8a: {  	s1 =	srdreg.scid  }
0x8b: {  	s0 =	sand.u32 $0x1, s1  }
0x8c: {  	s17 =	sshll.u32 s0, $0xA;
	s2 =	sadd.s32 s3, s2  }
0x8d: {  	s2 =	sadd.s32 s2, s17  }
0x8e: {  	[smem:$0x3FBD] =	sst s2  }
0x8f: {  	_ = 	snop  }
0x90: {  	s2 =	sld [smem:$0x3FC6];
	(tm) =	ssettm $0x1  }
0x91: {  	s18 =	sld [smem:$0x3FFB];
	_ =	sdelay $0x3  }
0x92: {  	_ =	strace s18  }
0x93: {  	s3 =	sld [smem:$0x3FFC];
	_ =	sdelay $0x3  }
0x94: {  	_ =	strace s3  }
0x95: {  	s3 =	sld [smem:$0x3FFD];
	_ =	sdelay $0x3  }
0x96: {  	_ =	strace s3  }
0x97: {  	_ =	strace $0x8FFFFFFF  }
0x98: {  	s19 =	sld [smem:$0x3FDB];
	_ =	sdelay $0x1  }
0x99: {  	s4 =	simm.s32 $_scs_section_size  }
0x9a: {  	s5 =	simm.s32 $_size__tile_overlayer_lowered;
	s6 =	simm.s32 $_tile_overlayer_lowered  }
0x9b: {  	s22 =	simm.s32 $0x1BFF;
	s21 =	sshll.u32 s6, $0x1;
	s3 =	sadd.s32 s4, s19  }
0x9c: {  	s7 =	simm.s32 $0x0;
	s20 =	sshll.u32 s5, $0x1;
	s5 =	sadd.s32 s21, s3  }
0x9d: {  	[timem:s7], [sflag:s22] =	dma.local [hbm:s5], s20  }
0x9e: {  	_ =	swait.ge [sflag:s22], s20  }
0x9f: {  	s4 =	ssub.s32 $0x0, s20;
	[sflag:s22] =	ssyncset.done $0x0  }
0xa0: {  	[sflag:s22] =	ssyncadd.s32 s4;
	_ =	sdelay $0x1  }
0xa1: {  	s23 =	simm.s32 $0x1B8B  }
0xa2: {  	_ =	swait.ge [sflag:s23], $0x1  }
0xa3: {  	[sflag:s23] =	ssyncset.done $0x0  }
0xa4: {  	s25 =	simm.s32 $0x1B8E;
	s24 =	sld [smem:$0x3FFE];
	[sflag:s23] =	ssyncadd.s32 $0xFFFFFFFF  }
0xa5: {  	s26 =	simm.s32 $execute0_lowered;
	[smem:$0x3FD2] =	sst s25  }
0xa6: {  	s5 =	sshll.u32 s26, $0x1;
	_ =	strace $0x80000046;
	[dreg:$0x1] =	wrdreg $0xFFFFFFFF  }
0xa7: {  	s28 =	simm.s32 $_size_execute0_lowered;
	s3 =	sadd.s32 s3, s5;
	[dreg:$0x0] =	wrdreg $0x0  }
0xa8: {  	s5 =	sshll.u32 s28, $0x1;
	[dreg:$0x2] =	wrdreg s3  }
0xa9: {  	[dreg:$0x3] =	wrdreg s5  }
0xaa: {  	[dreg:$0x4] =	wrdreg $0xC0  }
0xab: {  	_ =	task [dreg:s7], $0x5FFFF  }
0xac: {  	[dreg:$0x1] =	wrdreg $0xFFFFFFFF  }
0xad: {  	[dreg:$0x0] =	wrdreg $0x60  }
0xae: {  	[dreg:$0x2] =	wrdreg s2  }
0xaf: {  	[dreg:$0x3] =	wrdreg s24  }
0xb0: {  	[dreg:$0x4] =	wrdreg $0x9  }
0xb1: {  	_ =	task.clear_ibuf [dreg:s7], $0x5FFFF;
	_ =	strace $0x90000046  }
0xb2: {  	s29 =	simm.s32 $0x9;
	_ =	strace $0x80000048  }
0xb3: {  	_ =	swait.ge [sflag:s29], $0x1  }
0xb4: {  	[sflag:s29] =	ssyncadd.s32 $0xFFFFFFFF  }
0xb5: {  	_ =	strace $0x90000048  }
0xb6: {  	_ =	sfence  }
0xb7: {  	s30 =	sld [smem:$0x0];
	_ =	sdelay $0x2  }
0xb8: {  	s31 =	sshll.u32 s1, $0xD;
	s1 =	sshrl.u32 s1, $0x2  }
0xb9: {  	s3 =	sand.u32 $0x4000, s31;
	s1 =	sadd.s32 s1, s30  }
0xba: {  	s0 =	sor.u32 s3, s0;
	s1 =	sshll.u32 s1, $0x11  }
0xbb: {  	s0 =	sor.u32 s1, s0  }
0xbc: {  	s0 =	sadd.s32 $0x8F2B, s0  }
0xbd: {  	[sflag:s0] =	ssyncadd.remote.s32 $0x1  }
0xbe: {  	_ =	sfence.sel $0xFFFF  }
0xbf: {  	[dreg:$0x0] =	wrdreg $0xFFFFFFFF;
	(pc) =	sbr.abs _section_cstart, $3  }
0xc0: {  	[dreg:$0x1] =	wrdreg $0xFFFFFFFF  }
0xc1: {  	_ =	task.clear_ibuf [dreg:s7], $0x2FFFF;
	_ =	strace $0x9FFFFFFF  }
0xc2: {  	(tm) =	ssettm $0x7FFFFFFF  }
0xc3: {  	_ =	shalt  }
tec
execute0_lowered:
.L_overlay_start_1:
0x0: {  	(tag) =	ssettag $0x1  }
0x1: {  	s2 =	rddreg [dreg:$0x0]  }
0x2: {  	s4 =	rddreg [dreg:$0x1]  }
0x3: {  	s0 =	rddreg [dreg:$0x2]  }
0x4: {  	s5 =	srdreg.scid;
	s1 =	stileid.u32  }
0x5: {  	s3 =	simm.s32 $0x0;
	s12 =	simm.s32 $0x1880;
	s13 =	simm.s32 $0x2080  }
0x6: {  	s14 =	simm.s32 $0x2880;
	s15 =	simm.s32 $0x3080;
	s16 =	simm.s32 $0x3880  }
0x7: {  	s17 =	simm.s32 $0x4080;
	s18 =	simm.s32 $0x4880;
	s19 =	simm.s32 $0x5080  }
0x8: {  	s20 =	simm.s32 $0x5880;
	s21 =	simm.s32 $0x6080;
	s22 =	simm.s32 $0x6880  }
0x9: {  	s23 =	simm.s32 $0x7080;
	s24 =	simm.s32 $0x7880;
	s6 =	smul.u32 $0x280, s1  }
0xa: {  	s25 =	simm.s32 $0x1;
	s5 =	sand.u32 $0x1, s5;
	s29 =	smul.u32 $0xA000, s1  }
0xb: {  	s26 =	simm.s32 $0x0;
	[smem:$0x7FF] =	sst s3;
	s7 =	smul.u32 $0x140, s5  }
0xc: {  	_ =	strace $0x80000047;
	s8 =	ssub.s32 $0x2, s5;
	s10 =	smul.u32 $0x5000, s5  }
0xd: {  	s9 =	sshrl.u32 s8, $0x1;
	s30 =	sadd.s32 s29, s4;
	s6 =	sadd.s32 s7, s6  }
0xe: {  	s31 =	ssub.s32 s8, s9;
	s8 =	simm.s32 $0x2;
	s6 =	sshrl.u32 s6, $0x3  }
0xf: {  	v2 =	vlaneseq.u32;
	s9 =	simm.s32 $0x80;
	s5 =	smax.u32 s31, $0x1;
	s11 =	sadd.s32 s6, s4  }
0x10: {  	vm0 =	vmmov $0xffff;
	v1 =	vshrl.u32 v2, $0x3;
	s4 =	sadd.s32 $0x100, s2;
	s6 =	sadd.s32 s10, s30;
	s10 =	simm.s32 $0x880  }
0x11: {  	v0 =	vand.u32 $0x7, v2;
	v2 =	vor.u32 $0x8, v2;
	v1 =	vmul.u32 $0x8, v1;
	s6 =	sadd.s32 $0x18600, s6;
	s7 =	sadd.s32 $0x18000, s11;
	s11 =	simm.s32 $0x1080  }
.LBB2_1:
0x12: {  	s28 =	smov.u32 s6;
	s29 =	simm.s32 $0x0  }
.LBB2_2:
0x13: {  	s30 =	sadd.s32 s29, s7  }
0x14: {  	[tilespmem:s3], [sflag:$0x2] =	stream.linear.gather [hbm4b:s30+s3], $0x40, $0x38;
	[tilespmem:$0x8080] =	vst v63  }
0x15: {  	_ =	swait.ge [sflag:s8], $0x40  }
0x16: {  	[sflag:s8] =	ssyncset.done $0x0  }
0x17: {  	[sflag:s8] =	ssyncadd.s32 $0xFFFFFFC0  }
0x18: {  	v3 =	vld [tilespmem:$0x0];
	_ =	sdelay $0x4  }
0x19: {  	v4 =	vshll.u32 v3, $0x2  }
0x1a: {  	v3 =	vand.u32 $0x7, v3;
	v4 =	vand.u32 $0xFFFFFFE0, v4  }
0x1b: {  	v3 =	vor.u32 v3, v4  }
0x1c: {  	v4 =	vperm.xlane v3, v0;
	_ =	sdelay $0x1  }
0x1d: {  	v4 =	vadd.s32 v1, v4;
	_ =	sdelay $0x1  }
0x1e: {  	v3 =	vperm.xlane v3, v2;
	_ =	sdelay $0x1  }
0x1f: {  	v3 =	vadd.s32 v1, v3  }
0x20: {  	[tilespmem:s9], [sflag:$0x1] =	stream.indirect_vreg.gather [hbm4b:s2+s3], $0x80, v4, vm0, $0xb8;
	[tilespmem:$0x8080] =	vst v63  }
0x21: {  	_ = 	snop  }
0x22: {  	[tilespmem:s10], [sflag:$0x1] =	stream.indirect_vreg.gather [hbm4b:s4+s3], $0x80, v4, vm0, $0xb8;
	[tilespmem:$0x8080] =	vst v63  }
0x23: {  	_ = 	snop  }
0x24: {  	[tilespmem:s11], [sflag:$0x1] =	stream.indirect_vreg.gather [hbm4b:s2+s3], $0x80, v3, vm0, $0xb8;
	[tilespmem:$0x8080] =	vst v63  }
0x25: {  	_ = 	snop  }
0x26: {  	[tilespmem:s12], [sflag:$0x1] =	stream.indirect_vreg.gather [hbm4b:s4+s3], $0x80, v3, vm0, $0xb8;
	[tilespmem:$0x8080] =	vst v63  }
0x27: {  	v3 =	vld [tilespmem:$0x10];
	_ =	sdelay $0x4  }
0x28: {  	v61 =	vshll.u32 v3, $0x2  }
0x29: {  	v3 =	vand.u32 $0x7, v3;
	v4 =	vand.u32 $0xFFFFFFE0, v61  }
0x2a: {  	v3 =	vor.u32 v3, v4  }
0x2b: {  	v4 =	vperm.xlane v3, v0;
	_ =	sdelay $0x1  }
0x2c: {  	v4 =	vadd.s32 v1, v4;
	_ =	sdelay $0x1  }
0x2d: {  	v3 =	vperm.xlane v3, v2;
	_ =	sdelay $0x1  }
0x2e: {  	v3 =	vadd.s32 v1, v3  }
0x2f: {  	[tilespmem:s13], [sflag:$0x1] =	stream.indirect_vreg.gather [hbm4b:s2+s3], $0x80, v4, vm0, $0xb8;
	[tilespmem:$0x8080] =	vst v63  }
0x30: {  	_ = 	snop  }
0x31: {  	[tilespmem:s14], [sflag:$0x1] =	stream.indirect_vreg.gather [hbm4b:s4+s3], $0x80, v4, vm0, $0xb8;
	[tilespmem:$0x8080] =	vst v63  }
0x32: {  	_ = 	snop  }
0x33: {  	[tilespmem:s15], [sflag:$0x1] =	stream.indirect_vreg.gather [hbm4b:s2+s3], $0x80, v3, vm0, $0xb8;
	[tilespmem:$0x8080] =	vst v63  }
0x34: {  	_ = 	snop  }
0x35: {  	[tilespmem:s16], [sflag:$0x1] =	stream.indirect_vreg.gather [hbm4b:s4+s3], $0x80, v3, vm0, $0xb8;
	[tilespmem:$0x8080] =	vst v63  }
0x36: {  	v3 =	vld [tilespmem:$0x20];
	_ =	sdelay $0x4  }
0x37: {  	v62 =	vshll.u32 v3, $0x2  }
0x38: {  	v3 =	vand.u32 $0x7, v3;
	v4 =	vand.u32 $0xFFFFFFE0, v62  }
0x39: {  	v3 =	vor.u32 v3, v4  }
0x3a: {  	v4 =	vperm.xlane v3, v0;
	_ =	sdelay $0x1  }
0x3b: {  	v4 =	vadd.s32 v1, v4;
	_ =	sdelay $0x1  }
0x3c: {  	v3 =	vperm.xlane v3, v2;
	_ =	sdelay $0x1  }
0x3d: {  	v3 =	vadd.s32 v1, v3  }
0x3e: {  	[tilespmem:s17], [sflag:$0x1] =	stream.indirect_vreg.gather [hbm4b:s2+s3], $0x80, v4, vm0, $0xb8;
	[tilespmem:$0x8080] =	vst v63  }
0x3f: {  	_ = 	snop  }
0x40: {  	[tilespmem:s18], [sflag:$0x1] =	stream.indirect_vreg.gather [hbm4b:s4+s3], $0x80, v4, vm0, $0xb8;
	[tilespmem:$0x8080] =	vst v63  }
0x41: {  	_ = 	snop  }
0x42: {  	[tilespmem:s19], [sflag:$0x1] =	stream.indirect_vreg.gather [hbm4b:s2+s3], $0x80, v3, vm0, $0xb8;
	[tilespmem:$0x8080] =	vst v63  }
0x43: {  	_ = 	snop  }
0x44: {  	[tilespmem:s20], [sflag:$0x1] =	stream.indirect_vreg.gather [hbm4b:s4+s3], $0x80, v3, vm0, $0xb8;
	[tilespmem:$0x8080] =	vst v63  }
0x45: {  	v3 =	vld [tilespmem:$0x30];
	_ =	sdelay $0x4  }
0x46: {  	v63 =	vshll.u32 v3, $0x2  }
0x47: {  	v3 =	vand.u32 $0x7, v3;
	v4 =	vand.u32 $0xFFFFFFE0, v63  }
0x48: {  	v3 =	vor.u32 v3, v4  }
0x49: {  	v4 =	vperm.xlane v3, v0;
	_ =	sdelay $0x1  }
0x4a: {  	v4 =	vadd.s32 v1, v4;
	_ =	sdelay $0x1  }
0x4b: {  	v3 =	vperm.xlane v3, v2;
	_ =	sdelay $0x1  }
0x4c: {  	v3 =	vadd.s32 v1, v3  }
0x4d: {  	[tilespmem:s21], [sflag:$0x1] =	stream.indirect_vreg.gather [hbm4b:s2+s3], $0x80, v4, vm0, $0xb8;
	[tilespmem:$0x8080] =	vst v63  }
0x4e: {  	_ = 	snop  }
0x4f: {  	[tilespmem:s22], [sflag:$0x1] =	stream.indirect_vreg.gather [hbm4b:s4+s3], $0x80, v4, vm0, $0xb8;
	[tilespmem:$0x8080] =	vst v63  }
0x50: {  	_ = 	snop  }
0x51: {  	[tilespmem:s23], [sflag:$0x1] =	stream.indirect_vreg.gather [hbm4b:s2+s3], $0x80, v3, vm0, $0xb8;
	[tilespmem:$0x8080] =	vst v63  }
0x52: {  	_ = 	snop  }
0x53: {  	[tilespmem:s24], [sflag:$0x1] =	stream.indirect_vreg.gather [hbm4b:s4+s3], $0x80, v3, vm0, $0xb8;
	[tilespmem:$0x8080] =	vst v63  }
0x54: {  	_ =	swait.ge [sflag:s25], $0x8000  }
0x55: {  	p0 =	sne.s32 s29, $0x20;
	[sflag:s25] =	ssyncset.done $0x0  }
.Ltmp0:
0x56: {  	[sflag:s25] =	ssyncadd.s32 $0xFFFF8000;
	(pc) =	sbr.rel @p0 .LBB2_2-.Ltmp0, $4  }
0x57: {  	[hbm4b:s28+s3] =	stream.linear.scatter [tilespmem:s9], [sflag:$0x2], $0x8000, $0x38;
	[tilespmem:$0x8080] =	vst v63  }
0x58: {  	_ =	swait.ge [sflag:s8], $0x8000  }
0x59: {  	[sflag:s8] =	ssyncset.done $0x0  }
0x5a: {  	s29 =	sadd.s32 $0x8, s29;
	s28 =	sadd.s32 $0x1000, s28;
	[sflag:s8] =	ssyncadd.s32 $0xFFFF8000  }
0x5b: {  	s26 =	sadd.s32 $0x1, s26  }
0x5c: {  	p0 =	sne.s32 s26, s5  }
.Ltmp1:
0x5d: {  	_ = 	snop;
	(pc) =	sbr.rel @p0 .LBB2_1-.Ltmp1, $1  }
0x5e: {  	_ =	sdelay $0x3  }
0x5f: {  	_ =	sfence.sel $0x180000  }
0x60: {  	[bflag:$0x0] =	sbarrier.arrive $0xFFFF  }
0x61: {  	p0 =	sne.s32 s1, $0x0;
	_ =	strace $0x90000047  }
0x62: {  	s0 =	sadd.s32 @!p0 $0x100000, s0;
	[bflag:$0x2] =	sbarrier.arrive $0xFFFF  }
0x63: {  	[sflag:s0] =	ssyncadd.tile.s32 @!p0 $0x1;
	_ =	shalt  }
.Lfunc_end2:
_tile_overlayer_lowered:
.L_overlay_start_2:
0x64: {  	(tag) =	ssettag $0x2  }
0x65: {  	s0 =	rddreg [dreg:$0x0];
	s2 =	stileid.u32  }
0x66: {  	s1 =	rddreg [dreg:$0x1];
	p0 =	sne.s32 s2, $0x0  }
0x67: {  	s3 =	rddreg [dreg:$0x2];
	[bflag:$0x3] =	sbarrier.arrive $0xFFFF;
	s2 =	simm.s32 @!p0 $0x1C02  }
0x68: {  	[timem:s3], [sflag:s2] =	dma.local @!p0 [hbm:s0], s1  }
0x69: {  	s0 =	simm.s32 @!p0 $0x2  }
0x6a: {  	_ =	swait.ge @!p0 [sflag:s0], s1  }
0x6b: {  	s1 =	ssub.s32 @!p0 $0x0, s1;
	[sflag:s0] =	ssyncset.done @!p0 $0x0  }
0x6c: {  	[sflag:s0] =	ssyncadd.s32 @!p0 s1  }
0x6d: {  	[bflag:$0x3] =	sbarrier.arrive $0xFFFF  }
0x6e: {  	_ =	shalt  }

</sc_bundles>
